<compile_context>
chip_gen: v7x
topology: tpu7x:2x2x1
jax: 0.10.2.dev20260603
libtpu: 0.0.44.dev20260713+nightly
codegen_flags: <defaults>
</compile_context>

<pallas_src>
import dataclasses
import functools

import jax
import jax.numpy as jnp
from jax import lax
from jax.experimental import pallas as pl
from jax.experimental.pallas import tpu as pltpu
from jax.experimental.pallas import tpu_sc as plsc

N = 10000
E = 320000
D = 128
NC = 2
NS = 16
NW = NC * NS
CHUNK = 128
CPT = 80
EP = NW * CPT * CHUNK
NP = 10240
RPS = NP // NS
ZB = RPS // CHUNK
HPT = CPT // 2

_mesh = plsc.VectorSubcoreMesh(core_axis_name="c", subcore_axis_name="s")

_cp = pltpu.CompilerParams()
if "needs_layout_passes" in pltpu.CompilerParams.__dataclass_fields__:
    _cp = dataclasses.replace(_cp, needs_layout_passes=False)




def _zero_shared(zeros_hbm, shared, sid):
    pltpu.sync_copy(zeros_hbm.at[pl.ds(sid * RPS, RPS)],
                    shared.at[pl.ds(sid * RPS, RPS)])


@functools.partial(
    pl.kernel,
    mesh=_mesh,
    out_type=jax.ShapeDtypeStruct((NC, NP), jnp.float32),
    compiler_params=_cp,
    scratch_types=[
        pltpu.VMEM((CPT, CHUNK), jnp.int32),
        pltpu.VMEM((NP,), jnp.float32),
        pltpu.VMEM((RPS,), jnp.float32),
        pltpu.VMEM((RPS,), jnp.float32),
        pltpu.VMEM_SHARED((NS, NP), jnp.float32),
    ],
)
def _sc_degree(col_hbm, deg_out, idx_v, hist_v, tmp_v, accs_v, hist_sh):
    cid = lax.axis_index("c")
    sid = lax.axis_index("s")
    wid = cid * NS + sid
    pltpu.sync_copy(col_hbm.at[wid], idx_v)
    zeros16 = jnp.zeros((16,), jnp.float32)
    ones16 = jnp.ones((16,), jnp.float32)

    @pl.loop(0, NP // 16)
    def _(k):
        hist_v[pl.ds(k * 16, 16)] = zeros16

    @pl.loop(0, CPT)
    def _(j):
        @pl.loop(0, CHUNK // 16)
        def _(k):
            idx16 = idx_v[j, pl.ds(k * 16, 16)]
            plsc.addupdate_scatter(hist_v, [idx16], ones16)

    pltpu.sync_copy(hist_v, hist_sh.at[sid])
    plsc.subcore_barrier()

    @pl.loop(0, RPS // 16)
    def _(k):
        accs_v[pl.ds(k * 16, 16)] = zeros16

    @pl.loop(0, NS)
    def _(t):
        pltpu.sync_copy(hist_sh.at[t].at[pl.ds(sid * RPS, RPS)], tmp_v)

        @pl.loop(0, RPS // 16)
        def _(k):
            slc = pl.ds(k * 16, 16)
            accs_v[slc] = accs_v[slc] + tmp_v[slc]

    pltpu.sync_copy(accs_v, deg_out.at[cid].at[pl.ds(sid * RPS, RPS)])


@functools.partial(
    pl.kernel,
    mesh=_mesh,
    out_type=jax.ShapeDtypeStruct((NC, NP, D), jnp.float32),
    scratch_types=[
        pltpu.VMEM((HPT, CHUNK), jnp.int32),
        pltpu.VMEM((HPT, CHUNK), jnp.int32),
        pltpu.VMEM((CHUNK, D), jnp.float32),
        pltpu.VMEM((CHUNK, D), jnp.float32),
        pltpu.VMEM_SHARED((NP, D), jnp.float32),
        pltpu.SemaphoreType.DMA,
        pltpu.SemaphoreType.DMA,
    ],
)
def _sc_aggregate(row_hbm, col_hbm, y_hbm, zeros_hbm, acc_out,
                  ridx_v, cidx_v, gbuf0, gbuf1, acc_sh, sem0, sem1):
    cid = lax.axis_index("c")
    sid = lax.axis_index("s")
    wid = cid * NS + sid
    _zero_shared(zeros_hbm, acc_sh, sid)
    plsc.subcore_barrier()

    def start(j, buf, sem):
        pltpu.async_copy(y_hbm.at[ridx_v.at[j]], buf, sem)

    def wait(buf, sem):
        pltpu.make_async_copy(y_hbm.at[ridx_v.at[0]], buf, sem).wait()

    def scatter(j, buf):
        pltpu.sync_copy(buf, acc_sh.at[cidx_v.at[j]], add=True)

    for h in range(2):
        pltpu.sync_copy(row_hbm.at[wid].at[pl.ds(h * HPT, HPT)], ridx_v)
        pltpu.sync_copy(col_hbm.at[wid].at[pl.ds(h * HPT, HPT)], cidx_v)
        start(0, gbuf0, sem0)

        @pl.loop(0, HPT // 2 - 1)
        def _(p):
            j = 2 * p
            start(j + 1, gbuf1, sem1)
            wait(gbuf0, sem0)
            scatter(j, gbuf0)
            start(j + 2, gbuf0, sem0)
            wait(gbuf1, sem1)
            scatter(j + 1, gbuf1)

        start(HPT - 1, gbuf1, sem1)
        wait(gbuf0, sem0)
        scatter(HPT - 2, gbuf0)
        wait(gbuf1, sem1)
        scatter(HPT - 1, gbuf1)

    plsc.subcore_barrier()
    pltpu.sync_copy(acc_sh.at[pl.ds(sid * RPS, RPS)],
                    acc_out.at[cid].at[pl.ds(sid * RPS, RPS)])



_BLK = 400
_GRID = N // _BLK


def _tc_mmscale(x, deg2, W):
    def body(x_ref, d0_ref, d1_ref, w_ref, y_ref, dinv_ref):
        deg = d0_ref[0, 0, 0][:, None] + d1_ref[0, 0, 0][:, None] + 1.0
        dinv = lax.rsqrt(deg)
        dinv_ref[...] = dinv
        y_ref[...] = jnp.dot(x_ref[...] * dinv, w_ref[...],
                             preferred_element_type=jnp.float32)

    return pl.pallas_call(
        body,
        grid=(_GRID,),
        in_specs=[
            pl.BlockSpec((_BLK, D), lambda i: (i, 0)),
            pl.BlockSpec((1, 1, 1, _BLK), lambda i: (0, i, 0, 0)),
            pl.BlockSpec((1, 1, 1, _BLK), lambda i: (1, i, 0, 0)),
            pl.BlockSpec((D, D), lambda i: (0, 0)),
        ],
        out_specs=[
            pl.BlockSpec((_BLK, D), lambda i: (i, 0)),
            pl.BlockSpec((_BLK, 1), lambda i: (i, 0)),
        ],
        out_shape=[
            jax.ShapeDtypeStruct((N, D), jnp.float32),
            jax.ShapeDtypeStruct((N, 1), jnp.float32),
        ],
    )(x, deg2, deg2, W)


def _tc_combine(acc2, y, dinv, b2):
    def body(a0_ref, a1_ref, y_ref, dinv_ref, b_ref, o_ref):
        s = (a0_ref[0] + a1_ref[0] + y_ref[...]) * dinv_ref[...] + b_ref[...]
        o_ref[...] = jnp.where(s >= 0, s, 0.1 * s)

    return pl.pallas_call(
        body,
        grid=(_GRID,),
        in_specs=[
            pl.BlockSpec((1, _BLK, D), lambda i: (0, i, 0)),
            pl.BlockSpec((1, _BLK, D), lambda i: (1, i, 0)),
            pl.BlockSpec((_BLK, D), lambda i: (i, 0)),
            pl.BlockSpec((_BLK, 1), lambda i: (i, 0)),
            pl.BlockSpec((1, D), lambda i: (0, 0)),
        ],
        out_specs=pl.BlockSpec((_BLK, D), lambda i: (i, 0)),
        out_shape=jax.ShapeDtypeStruct((N, D), jnp.float32),
    )(acc2, acc2, y, dinv, b2)



def kernel(x, edge_index, W, b):
    row = edge_index[0]
    col = edge_index[1]
    pad = jnp.arange(EP - E, dtype=jnp.int32)
    row_p = jnp.concatenate([row, pad % N]).reshape(NW, CPT, CHUNK)
    col_p = jnp.concatenate([col, N + pad % (NP - N)]).reshape(NW, CPT, CHUNK)
    zeros = jnp.zeros((NP, D), jnp.float32)
    b2 = b.reshape(1, D)

    deg2 = _sc_degree(col_p)
    y, dinv = _tc_mmscale(x, deg2[:, :N].reshape(NC, _GRID, 1, _BLK), W)
    acc2 = _sc_aggregate(row_p, col_p, y, zeros)
    outp = _tc_combine(acc2, y, dinv, b2)
    return outp, edge_index

# --- scband reference (transcript-rebuilt; emitter-appended) ---
"""Pipeline reference for scband-gcn-38190849196743 (READ-ONLY COPY).

The authoritative reference and input builder live on the scoring server;
editing this copy changes nothing except your own understanding.
"""

import jax, jax.numpy as jnp
import numpy as np

N = 10000
E = 320000
D_IN = 128
D_OUT = 128


def setup_inputs(seed: int = 0) -> dict:
    key = jax.random.key(seed)
    k1, k2, k3 = jax.random.split(key, 3)
    x = jax.random.normal(k1, (N, D_IN), dtype=jnp.float32)
    edge_index = jax.random.randint(k2, (2, E), 0, N, dtype=jnp.int32)
    # GCNConv learned parameters (glorot-style weight, zero bias)
    W = jax.random.normal(k3, (D_IN, D_OUT), dtype=jnp.float32) / np.sqrt(D_IN)
    b = jnp.zeros((D_OUT,), dtype=jnp.float32)
    return {"x": x, "edge_index": edge_index, "W": W, "b": b}


def reference(x, edge_index, W, b):
    # GCNConv: add self-loops, symmetric degree normalization, linear transform,
    # scatter-add aggregation, bias; then LeakyReLU(0.1) from the wrapper module.
    n = x.shape[0]
    loop = jnp.arange(n, dtype=edge_index.dtype)
    row = jnp.concatenate([edge_index[0], loop])  # source nodes
    col = jnp.concatenate([edge_index[1], loop])  # destination nodes

    xw = x @ W

    ones = jnp.ones(row.shape[0], dtype=x.dtype)
    deg = jnp.zeros((n,), dtype=x.dtype).at[col].add(ones)
    deg_inv_sqrt = jnp.where(deg > 0, jax.lax.rsqrt(jnp.maximum(deg, 1e-12)), 0.0)
    norm = deg_inv_sqrt[row] * deg_inv_sqrt[col]

    msg = xw[row] * norm[:, None]
    out = jnp.zeros((n, xw.shape[1]), dtype=x.dtype).at[col].add(msg)
    out = out + b

    # LeakyReLU(negative_slope=0.1)
    out = jnp.where(out >= 0, out, 0.1 * out)
    return (out, edge_index)

if __name__ == "__main__":
    import jax
    _d = setup_inputs()
    print(jax.jit(kernel)(*tuple(_d.values())))

</pallas_src>

<mosaic_0001>
#map = affine_map<(d0, d1) -> (0, 0, 0)>
#map1 = affine_map<(d0, d1) -> (0, 0)>
module attributes {stable_mosaic.version = 14 : i64} {
  func.func @_sc_degree(%arg0: i32, %arg1: i32, %arg2: memref<32x80x128xi32, #tpu.memory_space<hbm>>, %arg3: memref<2x10240xf32, #tpu.memory_space<hbm>>, %arg4: memref<80x128xi32, #tpu.memory_space<vmem>>, %arg5: memref<10240xf32, #tpu.memory_space<vmem>>, %arg6: memref<640xf32, #tpu.memory_space<vmem>>, %arg7: memref<640xf32, #tpu.memory_space<vmem>>, %arg8: memref<16x10240xf32, #tpu.memory_space<vmem_shared>>) attributes {dimension_semantics = [#tpu.dimension_semantics<core_parallel>, #tpu.dimension_semantics<subcore_parallel>], iteration_bounds = array<i64: 2, 16>, scalar_prefetch = 0 : i64, scratch_operands = 5 : i64, tpu.core_type = #tpu.core_type<sc_vector_subcore>, window_params = [{transform_indices = #map}, {transform_indices = #map1}]} {
    %mul3A = arith.constant 16 : i32
    %mul3A_0 = arith.muli %arg0, %mul3A : i32
    %add3A = arith.addi %mul3A_0, %arg1 : i32
    "tpu.region"() ({
      %run_scoped3A = tpu.sem_alloc : memref<!tpu.dma_semaphore, #tpu.memory_space<semaphore_mem>>
      %dma_start3A = arith.constant 0 : i32
      %dma_start3A_25 = arith.constant 0 : i32
      %dma_start3A_26 = tpu.memref_slice %arg2[%add3A, %dma_start3A, %dma_start3A_25] : memref<32x80x128xi32, #tpu.memory_space<hbm>> -> memref<1x80x128xi32, #tpu.memory_space<hbm>>
      %dma_start3A_27 = tpu.memref_squeeze %dma_start3A_26 : memref<1x80x128xi32, #tpu.memory_space<hbm>> -> memref<80x128xi32, #tpu.memory_space<hbm>>
      %dma_start3A_28 = arith.constant 0 : i32
      %dma_start3A_29 = arith.constant 0 : i32
      %dma_start3A_30 = tpu.memref_slice %arg2[%add3A, %dma_start3A_28, %dma_start3A_29] : memref<32x80x128xi32, #tpu.memory_space<hbm>> -> memref<1x80x128xi32, #tpu.memory_space<hbm>>
      %dma_start3A_31 = tpu.memref_squeeze %dma_start3A_30 : memref<1x80x128xi32, #tpu.memory_space<hbm>> -> memref<80x128xi32, #tpu.memory_space<hbm>>
      tpu.enqueue_dma source(%dma_start3A_31 : memref<80x128xi32, #tpu.memory_space<hbm>>) target(%arg4 : memref<80x128xi32, #tpu.memory_space<vmem>>) target_semaphore(%run_scoped3A : memref<!tpu.dma_semaphore, #tpu.memory_space<semaphore_mem>>)
      %dma_wait3A = arith.constant 0 : i32
      %dma_wait3A_32 = arith.constant 0 : i32
      %dma_wait3A_33 = tpu.memref_slice %arg2[%add3A, %dma_wait3A, %dma_wait3A_32] : memref<32x80x128xi32, #tpu.memory_space<hbm>> -> memref<1x80x128xi32, #tpu.memory_space<hbm>>
      %dma_wait3A_34 = tpu.memref_squeeze %dma_wait3A_33 : memref<1x80x128xi32, #tpu.memory_space<hbm>> -> memref<80x128xi32, #tpu.memory_space<hbm>>
      %dma_wait3A_35 = arith.constant 0 : i32
      %dma_wait3A_36 = arith.constant 0 : i32
      %dma_wait3A_37 = tpu.memref_slice %arg2[%add3A, %dma_wait3A_35, %dma_wait3A_36] : memref<32x80x128xi32, #tpu.memory_space<hbm>> -> memref<1x80x128xi32, #tpu.memory_space<hbm>>
      %dma_wait3A_38 = tpu.memref_squeeze %dma_wait3A_37 : memref<1x80x128xi32, #tpu.memory_space<hbm>> -> memref<80x128xi32, #tpu.memory_space<hbm>>
      tpu.wait_dma2 semaphore(%run_scoped3A : memref<!tpu.dma_semaphore, #tpu.memory_space<semaphore_mem>>) src(%dma_wait3A_38 : memref<80x128xi32, #tpu.memory_space<hbm>>) dst(%arg4 : memref<80x128xi32, #tpu.memory_space<vmem>>)
      tpu.yield
    }) : () -> ()
    %broadcast_in_dim3A = arith.constant 0.000000e+00 : f32
    %broadcast_in_dim3A_1 = vector.broadcast %broadcast_in_dim3A : f32 to vector<16xf32>
    %broadcast_in_dim3A_2 = arith.constant 1.000000e+00 : f32
    %broadcast_in_dim3A_3 = vector.broadcast %broadcast_in_dim3A_2 : f32 to vector<16xf32>
    %scan3A = arith.constant 0 : i32
    %scan3A_4 = arith.constant 640 : i32
    %scan3A_5 = arith.addi %scan3A, %scan3A_4 : i32
    %scan3A_6 = arith.constant 1 : i32
    scf.for %scan3A_25 = %scan3A to %scan3A_5 step %scan3A_6  : i32 {
      %mul3A_26 = arith.constant 1 : i32
      %mul3A_27 = arith.muli %scan3A_25, %mul3A_26 : i32
      %add3A_28 = arith.constant 0 : i32
      %add3A_29 = arith.addi %add3A_28, %mul3A_27 : i32
      %mul3A_30 = arith.constant 16 : i32
      %mul3A_31 = arith.muli %add3A_29, %mul3A_30 : i32
      %swap3A = arith.index_cast %mul3A_31 : i32 to index
      %swap3A_32 = tpu.vector_load %arg5[%swap3A] {strides = array<i32>} : memref<10240xf32, #tpu.memory_space<vmem>>, vector<16xf32>,
      tpu.vector_store %arg5[%swap3A], %broadcast_in_dim3A_1 {strides = array<i32>} : memref<10240xf32, #tpu.memory_space<vmem>>, vector<16xf32>,
    }
    %scan3A_7 = arith.constant 640 : i32
    %scan3A_8 = arith.constant 0 : i32
    %scan3A_9 = arith.constant 80 : i32
    %scan3A_10 = arith.addi %scan3A_8, %scan3A_9 : i32
    %scan3A_11 = arith.constant 1 : i32
    scf.for %scan3A_25 = %scan3A_8 to %scan3A_10 step %scan3A_11  : i32 {
      %mul3A_26 = arith.constant 1 : i32
      %mul3A_27 = arith.muli %scan3A_25, %mul3A_26 : i32
      %add3A_28 = arith.constant 0 : i32
      %add3A_29 = arith.addi %add3A_28, %mul3A_27 : i32
      %scan3A_30 = arith.constant 0 : i32
      %scan3A_31 = arith.constant 8 : i32
      %scan3A_32 = arith.addi %scan3A_30, %scan3A_31 : i32
      %scan3A_33 = arith.constant 1 : i32
      scf.for %scan3A_35 = %scan3A_30 to %scan3A_32 step %scan3A_33  : i32 {
        %mul3A_36 = arith.constant 1 : i32
        %mul3A_37 = arith.muli %scan3A_35, %mul3A_36 : i32
        %add3A_38 = arith.constant 0 : i32
        %add3A_39 = arith.addi %add3A_38, %mul3A_37 : i32
        %mul3A_40 = arith.constant 16 : i32
        %mul3A_41 = arith.muli %add3A_39, %mul3A_40 : i32
        %get3A = arith.index_cast %add3A_29 : i32 to index
        %get3A_42 = arith.index_cast %mul3A_41 : i32 to index
        %get3A_43 = tpu.vector_load %arg4[%get3A, %get3A_42] {strides = array<i32>} : memref<80x128xi32, #tpu.memory_space<vmem>>, vector<16xi32>,
        tpu.vector_store_idx %arg5[%get3A_43], %broadcast_in_dim3A_3 {add = true} : memref<10240xf32, #tpu.memory_space<vmem>>[vector<16xi32>], vector<16xf32>,
      }
      %scan3A_34 = arith.constant 8 : i32
    }
    %scan3A_12 = arith.constant 80 : i32
    "tpu.region"() ({
      %run_scoped3A = tpu.sem_alloc : memref<!tpu.dma_semaphore, #tpu.memory_space<semaphore_mem>>
      %dma_start3A = arith.constant 0 : i32
      %dma_start3A_25 = tpu.memref_slice %arg8[%arg1, %dma_start3A] : memref<16x10240xf32, #tpu.memory_space<vmem_shared>> -> memref<1x10240xf32, #tpu.memory_space<vmem_shared>>
      %dma_start3A_26 = tpu.memref_squeeze %dma_start3A_25 : memref<1x10240xf32, #tpu.memory_space<vmem_shared>> -> memref<10240xf32, #tpu.memory_space<vmem_shared>>
      %dma_start3A_27 = arith.constant 0 : i32
      %dma_start3A_28 = tpu.memref_slice %arg8[%arg1, %dma_start3A_27] : memref<16x10240xf32, #tpu.memory_space<vmem_shared>> -> memref<1x10240xf32, #tpu.memory_space<vmem_shared>>
      %dma_start3A_29 = tpu.memref_squeeze %dma_start3A_28 : memref<1x10240xf32, #tpu.memory_space<vmem_shared>> -> memref<10240xf32, #tpu.memory_space<vmem_shared>>
      tpu.enqueue_dma source(%arg5 : memref<10240xf32, #tpu.memory_space<vmem>>) target(%dma_start3A_29 : memref<10240xf32, #tpu.memory_space<vmem_shared>>) target_semaphore(%run_scoped3A : memref<!tpu.dma_semaphore, #tpu.memory_space<semaphore_mem>>)
      %dma_wait3A = arith.constant 0 : i32
      %dma_wait3A_30 = tpu.memref_slice %arg8[%arg1, %dma_wait3A] : memref<16x10240xf32, #tpu.memory_space<vmem_shared>> -> memref<1x10240xf32, #tpu.memory_space<vmem_shared>>
      %dma_wait3A_31 = tpu.memref_squeeze %dma_wait3A_30 : memref<1x10240xf32, #tpu.memory_space<vmem_shared>> -> memref<10240xf32, #tpu.memory_space<vmem_shared>>
      %dma_wait3A_32 = arith.constant 0 : i32
      %dma_wait3A_33 = tpu.memref_slice %arg8[%arg1, %dma_wait3A_32] : memref<16x10240xf32, #tpu.memory_space<vmem_shared>> -> memref<1x10240xf32, #tpu.memory_space<vmem_shared>>
      %dma_wait3A_34 = tpu.memref_squeeze %dma_wait3A_33 : memref<1x10240xf32, #tpu.memory_space<vmem_shared>> -> memref<10240xf32, #tpu.memory_space<vmem_shared>>
      tpu.wait_dma2 semaphore(%run_scoped3A : memref<!tpu.dma_semaphore, #tpu.memory_space<semaphore_mem>>) src(%arg5 : memref<10240xf32, #tpu.memory_space<vmem>>) dst(%dma_wait3A_34 : memref<10240xf32, #tpu.memory_space<vmem_shared>>)
      tpu.yield
    }) : () -> ()
    %barrier3A = arith.constant 0 : index
    tpu.barrier barrier_id(%barrier3A)
    %scan3A_13 = arith.constant 0 : i32
    %scan3A_14 = arith.constant 40 : i32
    %scan3A_15 = arith.addi %scan3A_13, %scan3A_14 : i32
    %scan3A_16 = arith.constant 1 : i32
    scf.for %scan3A_25 = %scan3A_13 to %scan3A_15 step %scan3A_16  : i32 {
      %mul3A_26 = arith.constant 1 : i32
      %mul3A_27 = arith.muli %scan3A_25, %mul3A_26 : i32
      %add3A_28 = arith.constant 0 : i32
      %add3A_29 = arith.addi %add3A_28, %mul3A_27 : i32
      %mul3A_30 = arith.constant 16 : i32
      %mul3A_31 = arith.muli %add3A_29, %mul3A_30 : i32
      %swap3A = arith.index_cast %mul3A_31 : i32 to index
      %swap3A_32 = tpu.vector_load %arg7[%swap3A] {strides = array<i32>} : memref<640xf32, #tpu.memory_space<vmem>>, vector<16xf32>,
      tpu.vector_store %arg7[%swap3A], %broadcast_in_dim3A_1 {strides = array<i32>} : memref<640xf32, #tpu.memory_space<vmem>>, vector<16xf32>,
    }
    %scan3A_17 = arith.constant 40 : i32
    %scan3A_18 = arith.constant 0 : i32
    %scan3A_19 = arith.constant 16 : i32
    %scan3A_20 = arith.addi %scan3A_18, %scan3A_19 : i32
    %scan3A_21 = arith.constant 1 : i32
    scf.for %scan3A_25 = %scan3A_18 to %scan3A_20 step %scan3A_21  : i32 {
      %mul3A_26 = arith.constant 1 : i32
      %mul3A_27 = arith.muli %scan3A_25, %mul3A_26 : i32
      %add3A_28 = arith.constant 0 : i32
      %add3A_29 = arith.addi %add3A_28, %mul3A_27 : i32
      %mul3A_30 = arith.constant 640 : i32
      %mul3A_31 = arith.muli %arg1, %mul3A_30 : i32
      "tpu.region"() ({
        %run_scoped3A = tpu.sem_alloc : memref<!tpu.dma_semaphore, #tpu.memory_space<semaphore_mem>>
        %dma_start3A = arith.constant 0 : i32
        %dma_start3A_37 = tpu.memref_slice %arg8[%add3A_29, %dma_start3A] : memref<16x10240xf32, #tpu.memory_space<vmem_shared>> -> memref<1x10240xf32, #tpu.memory_space<vmem_shared>>
        %dma_start3A_38 = tpu.memref_squeeze %dma_start3A_37 : memref<1x10240xf32, #tpu.memory_space<vmem_shared>> -> memref<10240xf32, #tpu.memory_space<vmem_shared>>
        %dma_start3A_39 = tpu.memref_slice %dma_start3A_38[%mul3A_31] : memref<10240xf32, #tpu.memory_space<vmem_shared>> -> memref<640xf32, #tpu.memory_space<vmem_shared>>
        %dma_start3A_40 = arith.constant 0 : i32
        %dma_start3A_41 = tpu.memref_slice %arg8[%add3A_29, %dma_start3A_40] : memref<16x10240xf32, #tpu.memory_space<vmem_shared>> -> memref<1x10240xf32, #tpu.memory_space<vmem_shared>>
        %dma_start3A_42 = tpu.memref_squeeze %dma_start3A_41 : memref<1x10240xf32, #tpu.memory_space<vmem_shared>> -> memref<10240xf32, #tpu.memory_space<vmem_shared>>
        %dma_start3A_43 = tpu.memref_slice %dma_start3A_42[%mul3A_31] : memref<10240xf32, #tpu.memory_space<vmem_shared>> -> memref<640xf32, #tpu.memory_space<vmem_shared>>
        tpu.enqueue_dma source(%dma_start3A_43 : memref<640xf32, #tpu.memory_space<vmem_shared>>) target(%arg6 : memref<640xf32, #tpu.memory_space<vmem>>) target_semaphore(%run_scoped3A : memref<!tpu.dma_semaphore, #tpu.memory_space<semaphore_mem>>)
        %dma_wait3A = arith.constant 0 : i32
        %dma_wait3A_44 = tpu.memref_slice %arg8[%add3A_29, %dma_wait3A] : memref<16x10240xf32, #tpu.memory_space<vmem_shared>> -> memref<1x10240xf32, #tpu.memory_space<vmem_shared>>
        %dma_wait3A_45 = tpu.memref_squeeze %dma_wait3A_44 : memref<1x10240xf32, #tpu.memory_space<vmem_shared>> -> memref<10240xf32, #tpu.memory_space<vmem_shared>>
        %dma_wait3A_46 = tpu.memref_slice %dma_wait3A_45[%mul3A_31] : memref<10240xf32, #tpu.memory_space<vmem_shared>> -> memref<640xf32, #tpu.memory_space<vmem_shared>>
        %dma_wait3A_47 = arith.constant 0 : i32
        %dma_wait3A_48 = tpu.memref_slice %arg8[%add3A_29, %dma_wait3A_47] : memref<16x10240xf32, #tpu.memory_space<vmem_shared>> -> memref<1x10240xf32, #tpu.memory_space<vmem_shared>>
        %dma_wait3A_49 = tpu.memref_squeeze %dma_wait3A_48 : memref<1x10240xf32, #tpu.memory_space<vmem_shared>> -> memref<10240xf32, #tpu.memory_space<vmem_shared>>
        %dma_wait3A_50 = tpu.memref_slice %dma_wait3A_49[%mul3A_31] : memref<10240xf32, #tpu.memory_space<vmem_shared>> -> memref<640xf32, #tpu.memory_space<vmem_shared>>
        tpu.wait_dma2 semaphore(%run_scoped3A : memref<!tpu.dma_semaphore, #tpu.memory_space<semaphore_mem>>) src(%dma_wait3A_50 : memref<640xf32, #tpu.memory_space<vmem_shared>>) dst(%arg6 : memref<640xf32, #tpu.memory_space<vmem>>)
        tpu.yield
      }) : () -> ()
      %scan3A_32 = arith.constant 0 : i32
      %scan3A_33 = arith.constant 40 : i32
      %scan3A_34 = arith.addi %scan3A_32, %scan3A_33 : i32
      %scan3A_35 = arith.constant 1 : i32
      scf.for %scan3A_37 = %scan3A_32 to %scan3A_34 step %scan3A_35  : i32 {
        %mul3A_38 = arith.constant 1 : i32
        %mul3A_39 = arith.muli %scan3A_37, %mul3A_38 : i32
        %add3A_40 = arith.constant 0 : i32
        %add3A_41 = arith.addi %add3A_40, %mul3A_39 : i32
        %mul3A_42 = arith.constant 16 : i32
        %mul3A_43 = arith.muli %add3A_41, %mul3A_42 : i32
        %get3A = arith.index_cast %mul3A_43 : i32 to index
        %get3A_44 = tpu.vector_load %arg7[%get3A] {strides = array<i32>} : memref<640xf32, #tpu.memory_space<vmem>>, vector<16xf32>,
        %get3A_45 = arith.index_cast %mul3A_43 : i32 to index
        %get3A_46 = tpu.vector_load %arg6[%get3A_45] {strides = array<i32>} : memref<640xf32, #tpu.memory_space<vmem>>, vector<16xf32>,
        %add3A_47 = arith.addf %get3A_44, %get3A_46 : vector<16xf32>
        %swap3A = arith.index_cast %mul3A_43 : i32 to index
        %swap3A_48 = tpu.vector_load %arg7[%swap3A] {strides = array<i32>} : memref<640xf32, #tpu.memory_space<vmem>>, vector<16xf32>,
        tpu.vector_store %arg7[%swap3A], %add3A_47 {strides = array<i32>} : memref<640xf32, #tpu.memory_space<vmem>>, vector<16xf32>,
      }
      %scan3A_36 = arith.constant 40 : i32
    }
    %scan3A_22 = arith.constant 16 : i32
    %mul3A_23 = arith.constant 640 : i32
    %mul3A_24 = arith.muli %arg1, %mul3A_23 : i32
    "tpu.region"() ({
      %run_scoped3A = tpu.sem_alloc : memref<!tpu.dma_semaphore, #tpu.memory_space<semaphore_mem>>
      %dma_start3A = arith.constant 0 : i32
      %dma_start3A_25 = tpu.memref_slice %arg3[%arg0, %dma_start3A] : memref<2x10240xf32, #tpu.memory_space<hbm>> -> memref<1x10240xf32, #tpu.memory_space<hbm>>
      %dma_start3A_26 = tpu.memref_squeeze %dma_start3A_25 : memref<1x10240xf32, #tpu.memory_space<hbm>> -> memref<10240xf32, #tpu.memory_space<hbm>>
      %dma_start3A_27 = tpu.memref_slice %dma_start3A_26[%mul3A_24] : memref<10240xf32, #tpu.memory_space<hbm>> -> memref<640xf32, #tpu.memory_space<hbm>>
      %dma_start3A_28 = arith.constant 0 : i32
      %dma_start3A_29 = tpu.memref_slice %arg3[%arg0, %dma_start3A_28] : memref<2x10240xf32, #tpu.memory_space<hbm>> -> memref<1x10240xf32, #tpu.memory_space<hbm>>
      %dma_start3A_30 = tpu.memref_squeeze %dma_start3A_29 : memref<1x10240xf32, #tpu.memory_space<hbm>> -> memref<10240xf32, #tpu.memory_space<hbm>>
      %dma_start3A_31 = tpu.memref_slice %dma_start3A_30[%mul3A_24] : memref<10240xf32, #tpu.memory_space<hbm>> -> memref<640xf32, #tpu.memory_space<hbm>>
      tpu.enqueue_dma source(%arg7 : memref<640xf32, #tpu.memory_space<vmem>>) target(%dma_start3A_31 : memref<640xf32, #tpu.memory_space<hbm>>) target_semaphore(%run_scoped3A : memref<!tpu.dma_semaphore, #tpu.memory_space<semaphore_mem>>)
      %dma_wait3A = arith.constant 0 : i32
      %dma_wait3A_32 = tpu.memref_slice %arg3[%arg0, %dma_wait3A] : memref<2x10240xf32, #tpu.memory_space<hbm>> -> memref<1x10240xf32, #tpu.memory_space<hbm>>
      %dma_wait3A_33 = tpu.memref_squeeze %dma_wait3A_32 : memref<1x10240xf32, #tpu.memory_space<hbm>> -> memref<10240xf32, #tpu.memory_space<hbm>>
      %dma_wait3A_34 = tpu.memref_slice %dma_wait3A_33[%mul3A_24] : memref<10240xf32, #tpu.memory_space<hbm>> -> memref<640xf32, #tpu.memory_space<hbm>>
      %dma_wait3A_35 = arith.constant 0 : i32
      %dma_wait3A_36 = tpu.memref_slice %arg3[%arg0, %dma_wait3A_35] : memref<2x10240xf32, #tpu.memory_space<hbm>> -> memref<1x10240xf32, #tpu.memory_space<hbm>>
      %dma_wait3A_37 = tpu.memref_squeeze %dma_wait3A_36 : memref<1x10240xf32, #tpu.memory_space<hbm>> -> memref<10240xf32, #tpu.memory_space<hbm>>
      %dma_wait3A_38 = tpu.memref_slice %dma_wait3A_37[%mul3A_24] : memref<10240xf32, #tpu.memory_space<hbm>> -> memref<640xf32, #tpu.memory_space<hbm>>
      tpu.wait_dma2 semaphore(%run_scoped3A : memref<!tpu.dma_semaphore, #tpu.memory_space<semaphore_mem>>) src(%arg7 : memref<640xf32, #tpu.memory_space<vmem>>) dst(%dma_wait3A_38 : memref<640xf32, #tpu.memory_space<hbm>>)
      tpu.yield
    }) : () -> ()
    return
  }
}

#map = affine_map<(d0, d1) -> (0, 0, 0)>
#map1 = affine_map<(d0, d1) -> (0, 0)>
module attributes {stable_mosaic.version = 14 : i64} {
  func.func @_sc_aggregate(%arg0: i32, %arg1: i32, %arg2: memref<32x80x128xi32, #tpu.memory_space<hbm>>, %arg3: memref<32x80x128xi32, #tpu.memory_space<hbm>>, %arg4: memref<10000x128xf32, #tpu.memory_space<hbm>>, %arg5: memref<10240x128xf32, #tpu.memory_space<hbm>>, %arg6: memref<2x10240x128xf32, #tpu.memory_space<hbm>>, %arg7: memref<40x128xi32, #tpu.memory_space<vmem>>, %arg8: memref<40x128xi32, #tpu.memory_space<vmem>>, %arg9: memref<128x128xf32, #tpu.memory_space<vmem>>, %arg10: memref<128x128xf32, #tpu.memory_space<vmem>>, %arg11: memref<10240x128xf32, #tpu.memory_space<vmem_shared>>, %arg12: memref<!tpu.dma_semaphore, #tpu.memory_space<semaphore_mem>>, %arg13: memref<!tpu.dma_semaphore, #tpu.memory_space<semaphore_mem>>) attributes {dimension_semantics = [#tpu.dimension_semantics<core_parallel>, #tpu.dimension_semantics<subcore_parallel>], iteration_bounds = array<i64: 2, 16>, scalar_prefetch = 0 : i64, scratch_operands = 7 : i64, tpu.core_type = #tpu.core_type<sc_vector_subcore>, window_params = [{transform_indices = #map}, {transform_indices = #map}, {transform_indices = #map1}, {transform_indices = #map1}, {transform_indices = #map}]} {
    %mul3A = arith.constant 16 : i32
    %mul3A_0 = arith.muli %arg0, %mul3A : i32
    %add3A = arith.addi %mul3A_0, %arg1 : i32
    %mul3A_1 = arith.constant 640 : i32
    %mul3A_2 = arith.muli %arg1, %mul3A_1 : i32
    %mul3A_3 = arith.constant 640 : i32
    %mul3A_4 = arith.muli %arg1, %mul3A_3 : i32
    "tpu.region"() ({
      %run_scoped3A_76 = tpu.sem_alloc : memref<!tpu.dma_semaphore, #tpu.memory_space<semaphore_mem>>
      %dma_start3A_77 = arith.constant 0 : i32
      %dma_start3A_78 = tpu.memref_slice %arg11[%mul3A_4, %dma_start3A_77] : memref<10240x128xf32, #tpu.memory_space<vmem_shared>> -> memref<640x128xf32, #tpu.memory_space<vmem_shared>>
      %dma_start3A_79 = arith.constant 0 : i32
      %dma_start3A_80 = tpu.memref_slice %arg5[%mul3A_2, %dma_start3A_79] : memref<10240x128xf32, #tpu.memory_space<hbm>> -> memref<640x128xf32, #tpu.memory_space<hbm>>
      tpu.enqueue_dma source(%dma_start3A_80 : memref<640x128xf32, #tpu.memory_space<hbm>>) target(%dma_start3A_78 : memref<640x128xf32, #tpu.memory_space<vmem_shared>>) target_semaphore(%run_scoped3A_76 : memref<!tpu.dma_semaphore, #tpu.memory_space<semaphore_mem>>)
      %dma_wait3A_81 = arith.constant 0 : i32
      %dma_wait3A_82 = tpu.memref_slice %arg11[%mul3A_4, %dma_wait3A_81] : memref<10240x128xf32, #tpu.memory_space<vmem_shared>> -> memref<640x128xf32, #tpu.memory_space<vmem_shared>>
      %dma_wait3A_83 = arith.constant 0 : i32
      %dma_wait3A_84 = tpu.memref_slice %arg5[%mul3A_2, %dma_wait3A_83] : memref<10240x128xf32, #tpu.memory_space<hbm>> -> memref<640x128xf32, #tpu.memory_space<hbm>>
      tpu.wait_dma2 semaphore(%run_scoped3A_76 : memref<!tpu.dma_semaphore, #tpu.memory_space<semaphore_mem>>) src(%dma_wait3A_84 : memref<640x128xf32, #tpu.memory_space<hbm>>) dst(%dma_wait3A_82 : memref<640x128xf32, #tpu.memory_space<vmem_shared>>)
      tpu.yield
    }) : () -> ()
    %barrier3A = arith.constant 0 : index
    tpu.barrier barrier_id(%barrier3A)
    "tpu.region"() ({
      %run_scoped3A_76 = tpu.sem_alloc : memref<!tpu.dma_semaphore, #tpu.memory_space<semaphore_mem>>
      %dma_start3A_77 = arith.constant 0 : i32
      %dma_start3A_78 = arith.constant 0 : i32
      %dma_start3A_79 = tpu.memref_slice %arg2[%add3A, %dma_start3A_77, %dma_start3A_78] : memref<32x80x128xi32, #tpu.memory_space<hbm>> -> memref<1x80x128xi32, #tpu.memory_space<hbm>>
      %dma_start3A_80 = tpu.memref_squeeze %dma_start3A_79 : memref<1x80x128xi32, #tpu.memory_space<hbm>> -> memref<80x128xi32, #tpu.memory_space<hbm>>
      %dma_start3A_81 = arith.constant 0 : i32
      %dma_start3A_82 = arith.constant 0 : i32
      %dma_start3A_83 = tpu.memref_slice %dma_start3A_80[%dma_start3A_81, %dma_start3A_82] : memref<80x128xi32, #tpu.memory_space<hbm>> -> memref<40x128xi32, #tpu.memory_space<hbm>>
      %dma_start3A_84 = arith.constant 0 : i32
      %dma_start3A_85 = arith.constant 0 : i32
      %dma_start3A_86 = tpu.memref_slice %arg2[%add3A, %dma_start3A_84, %dma_start3A_85] : memref<32x80x128xi32, #tpu.memory_space<hbm>> -> memref<1x80x128xi32, #tpu.memory_space<hbm>>
      %dma_start3A_87 = tpu.memref_squeeze %dma_start3A_86 : memref<1x80x128xi32, #tpu.memory_space<hbm>> -> memref<80x128xi32, #tpu.memory_space<hbm>>
      %dma_start3A_88 = arith.constant 0 : i32
      %dma_start3A_89 = arith.constant 0 : i32
      %dma_start3A_90 = tpu.memref_slice %dma_start3A_87[%dma_start3A_88, %dma_start3A_89] : memref<80x128xi32, #tpu.memory_space<hbm>> -> memref<40x128xi32, #tpu.memory_space<hbm>>
      tpu.enqueue_dma source(%dma_start3A_90 : memref<40x128xi32, #tpu.memory_space<hbm>>) target(%arg7 : memref<40x128xi32, #tpu.memory_space<vmem>>) target_semaphore(%run_scoped3A_76 : memref<!tpu.dma_semaphore, #tpu.memory_space<semaphore_mem>>)
      %dma_wait3A_91 = arith.constant 0 : i32
      %dma_wait3A_92 = arith.constant 0 : i32
      %dma_wait3A_93 = tpu.memref_slice %arg2[%add3A, %dma_wait3A_91, %dma_wait3A_92] : memref<32x80x128xi32, #tpu.memory_space<hbm>> -> memref<1x80x128xi32, #tpu.memory_space<hbm>>
      %dma_wait3A_94 = tpu.memref_squeeze %dma_wait3A_93 : memref<1x80x128xi32, #tpu.memory_space<hbm>> -> memref<80x128xi32, #tpu.memory_space<hbm>>
      %dma_wait3A_95 = arith.constant 0 : i32
      %dma_wait3A_96 = arith.constant 0 : i32
      %dma_wait3A_97 = tpu.memref_slice %dma_wait3A_94[%dma_wait3A_95, %dma_wait3A_96] : memref<80x128xi32, #tpu.memory_space<hbm>> -> memref<40x128xi32, #tpu.memory_space<hbm>>
      %dma_wait3A_98 = arith.constant 0 : i32
      %dma_wait3A_99 = arith.constant 0 : i32
      %dma_wait3A_100 = tpu.memref_slice %arg2[%add3A, %dma_wait3A_98, %dma_wait3A_99] : memref<32x80x128xi32, #tpu.memory_space<hbm>> -> memref<1x80x128xi32, #tpu.memory_space<hbm>>
      %dma_wait3A_101 = tpu.memref_squeeze %dma_wait3A_100 : memref<1x80x128xi32, #tpu.memory_space<hbm>> -> memref<80x128xi32, #tpu.memory_space<hbm>>
      %dma_wait3A_102 = arith.constant 0 : i32
      %dma_wait3A_103 = arith.constant 0 : i32
      %dma_wait3A_104 = tpu.memref_slice %dma_wait3A_101[%dma_wait3A_102, %dma_wait3A_103] : memref<80x128xi32, #tpu.memory_space<hbm>> -> memref<40x128xi32, #tpu.memory_space<hbm>>
      tpu.wait_dma2 semaphore(%run_scoped3A_76 : memref<!tpu.dma_semaphore, #tpu.memory_space<semaphore_mem>>) src(%dma_wait3A_104 : memref<40x128xi32, #tpu.memory_space<hbm>>) dst(%arg7 : memref<40x128xi32, #tpu.memory_space<vmem>>)
      tpu.yield
    }) : () -> ()
    "tpu.region"() ({
      %run_scoped3A_76 = tpu.sem_alloc : memref<!tpu.dma_semaphore, #tpu.memory_space<semaphore_mem>>
      %dma_start3A_77 = arith.constant 0 : i32
      %dma_start3A_78 = arith.constant 0 : i32
      %dma_start3A_79 = tpu.memref_slice %arg3[%add3A, %dma_start3A_77, %dma_start3A_78] : memref<32x80x128xi32, #tpu.memory_space<hbm>> -> memref<1x80x128xi32, #tpu.memory_space<hbm>>
      %dma_start3A_80 = tpu.memref_squeeze %dma_start3A_79 : memref<1x80x128xi32, #tpu.memory_space<hbm>> -> memref<80x128xi32, #tpu.memory_space<hbm>>
      %dma_start3A_81 = arith.constant 0 : i32
      %dma_start3A_82 = arith.constant 0 : i32
      %dma_start3A_83 = tpu.memref_slice %dma_start3A_80[%dma_start3A_81, %dma_start3A_82] : memref<80x128xi32, #tpu.memory_space<hbm>> -> memref<40x128xi32, #tpu.memory_space<hbm>>
      %dma_start3A_84 = arith.constant 0 : i32
      %dma_start3A_85 = arith.constant 0 : i32
      %dma_start3A_86 = tpu.memref_slice %arg3[%add3A, %dma_start3A_84, %dma_start3A_85] : memref<32x80x128xi32, #tpu.memory_space<hbm>> -> memref<1x80x128xi32, #tpu.memory_space<hbm>>
      %dma_start3A_87 = tpu.memref_squeeze %dma_start3A_86 : memref<1x80x128xi32, #tpu.memory_space<hbm>> -> memref<80x128xi32, #tpu.memory_space<hbm>>
      %dma_start3A_88 = arith.constant 0 : i32
      %dma_start3A_89 = arith.constant 0 : i32
      %dma_start3A_90 = tpu.memref_slice %dma_start3A_87[%dma_start3A_88, %dma_start3A_89] : memref<80x128xi32, #tpu.memory_space<hbm>> -> memref<40x128xi32, #tpu.memory_space<hbm>>
      tpu.enqueue_dma source(%dma_start3A_90 : memref<40x128xi32, #tpu.memory_space<hbm>>) target(%arg8 : memref<40x128xi32, #tpu.memory_space<vmem>>) target_semaphore(%run_scoped3A_76 : memref<!tpu.dma_semaphore, #tpu.memory_space<semaphore_mem>>)
      %dma_wait3A_91 = arith.constant 0 : i32
      %dma_wait3A_92 = arith.constant 0 : i32
      %dma_wait3A_93 = tpu.memref_slice %arg3[%add3A, %dma_wait3A_91, %dma_wait3A_92] : memref<32x80x128xi32, #tpu.memory_space<hbm>> -> memref<1x80x128xi32, #tpu.memory_space<hbm>>
      %dma_wait3A_94 = tpu.memref_squeeze %dma_wait3A_93 : memref<1x80x128xi32, #tpu.memory_space<hbm>> -> memref<80x128xi32, #tpu.memory_space<hbm>>
      %dma_wait3A_95 = arith.constant 0 : i32
      %dma_wait3A_96 = arith.constant 0 : i32
      %dma_wait3A_97 = tpu.memref_slice %dma_wait3A_94[%dma_wait3A_95, %dma_wait3A_96] : memref<80x128xi32, #tpu.memory_space<hbm>> -> memref<40x128xi32, #tpu.memory_space<hbm>>
      %dma_wait3A_98 = arith.constant 0 : i32
      %dma_wait3A_99 = arith.constant 0 : i32
      %dma_wait3A_100 = tpu.memref_slice %arg3[%add3A, %dma_wait3A_98, %dma_wait3A_99] : memref<32x80x128xi32, #tpu.memory_space<hbm>> -> memref<1x80x128xi32, #tpu.memory_space<hbm>>
      %dma_wait3A_101 = tpu.memref_squeeze %dma_wait3A_100 : memref<1x80x128xi32, #tpu.memory_space<hbm>> -> memref<80x128xi32, #tpu.memory_space<hbm>>
      %dma_wait3A_102 = arith.constant 0 : i32
      %dma_wait3A_103 = arith.constant 0 : i32
      %dma_wait3A_104 = tpu.memref_slice %dma_wait3A_101[%dma_wait3A_102, %dma_wait3A_103] : memref<80x128xi32, #tpu.memory_space<hbm>> -> memref<40x128xi32, #tpu.memory_space<hbm>>
      tpu.wait_dma2 semaphore(%run_scoped3A_76 : memref<!tpu.dma_semaphore, #tpu.memory_space<semaphore_mem>>) src(%dma_wait3A_104 : memref<40x128xi32, #tpu.memory_space<hbm>>) dst(%arg8 : memref<40x128xi32, #tpu.memory_space<vmem>>)
      tpu.yield
    }) : () -> ()
    %dma_start3A = arith.constant 0 : i32
    %dma_start3A_5 = arith.constant 0 : i32
    %dma_start3A_6 = tpu.memref_slice %arg7[%dma_start3A, %dma_start3A_5] : memref<40x128xi32, #tpu.memory_space<vmem>> -> memref<1x128xi32, #tpu.memory_space<vmem>>
    %dma_start3A_7 = tpu.memref_squeeze %dma_start3A_6 : memref<1x128xi32, #tpu.memory_space<vmem>> -> memref<128xi32, #tpu.memory_space<vmem>>
    %dma_start3A_8 = arith.constant 0 : i32
    %dma_start3A_9 = arith.constant 0 : i32
    %dma_start3A_10 = tpu.memref_slice %arg4[%dma_start3A_8, %dma_start3A_9] : memref<10000x128xf32, #tpu.memory_space<hbm>> -> memref<10000x128xf32, #tpu.memory_space<hbm>>
    tpu.enqueue_indirect_dma source(%dma_start3A_10 : memref<10000x128xf32, #tpu.memory_space<hbm>>) target(%arg9 : memref<128x128xf32, #tpu.memory_space<vmem>>) offsets(%dma_start3A_7 : memref<128xi32, #tpu.memory_space<vmem>>) semaphore(%arg12 : memref<!tpu.dma_semaphore, #tpu.memory_space<semaphore_mem>>)
    %scan3A = arith.constant 0 : i32
    %scan3A_11 = arith.constant 19 : i32
    %scan3A_12 = arith.addi %scan3A, %scan3A_11 : i32
    %scan3A_13 = arith.constant 1 : i32
    scf.for %scan3A_76 = %scan3A to %scan3A_12 step %scan3A_13  : i32 {
      %mul3A_77 = arith.constant 1 : i32
      %mul3A_78 = arith.muli %scan3A_76, %mul3A_77 : i32
      %add3A_79 = arith.constant 0 : i32
      %add3A_80 = arith.addi %add3A_79, %mul3A_78 : i32
      %mul3A_81 = arith.constant 2 : i32
      %mul3A_82 = arith.muli %mul3A_81, %add3A_80 : i32
      %add3A_83 = arith.constant 1 : i32
      %add3A_84 = arith.addi %mul3A_82, %add3A_83 : i32
      %dma_start3A_85 = arith.constant 0 : i32
      %dma_start3A_86 = tpu.memref_slice %arg7[%add3A_84, %dma_start3A_85] : memref<40x128xi32, #tpu.memory_space<vmem>> -> memref<1x128xi32, #tpu.memory_space<vmem>>
      %dma_start3A_87 = tpu.memref_squeeze %dma_start3A_86 : memref<1x128xi32, #tpu.memory_space<vmem>> -> memref<128xi32, #tpu.memory_space<vmem>>
      %dma_start3A_88 = arith.constant 0 : i32
      %dma_start3A_89 = arith.constant 0 : i32
      %dma_start3A_90 = tpu.memref_slice %arg4[%dma_start3A_88, %dma_start3A_89] : memref<10000x128xf32, #tpu.memory_space<hbm>> -> memref<10000x128xf32, #tpu.memory_space<hbm>>
      tpu.enqueue_indirect_dma source(%dma_start3A_90 : memref<10000x128xf32, #tpu.memory_space<hbm>>) target(%arg10 : memref<128x128xf32, #tpu.memory_space<vmem>>) offsets(%dma_start3A_87 : memref<128xi32, #tpu.memory_space<vmem>>) semaphore(%arg13 : memref<!tpu.dma_semaphore, #tpu.memory_space<semaphore_mem>>)
      %dma_wait3A_91 = arith.constant 0 : i32
      %dma_wait3A_92 = arith.constant 0 : i32
      %dma_wait3A_93 = tpu.memref_slice %arg7[%dma_wait3A_91, %dma_wait3A_92] : memref<40x128xi32, #tpu.memory_space<vmem>> -> memref<1x128xi32, #tpu.memory_space<vmem>>
      %dma_wait3A_94 = tpu.memref_squeeze %dma_wait3A_93 : memref<1x128xi32, #tpu.memory_space<vmem>> -> memref<128xi32, #tpu.memory_space<vmem>>
      %dma_wait3A_95 = arith.constant 0 : i32
      %dma_wait3A_96 = arith.constant 0 : i32
      %dma_wait3A_97 = tpu.memref_slice %arg4[%dma_wait3A_95, %dma_wait3A_96] : memref<10000x128xf32, #tpu.memory_space<hbm>> -> memref<10000x128xf32, #tpu.memory_space<hbm>>
      tpu.wait_indirect_dma semaphore(%arg12 : memref<!tpu.dma_semaphore, #tpu.memory_space<semaphore_mem>>) src(%dma_wait3A_97 : memref<10000x128xf32, #tpu.memory_space<hbm>>) dst(%arg9 : memref<128x128xf32, #tpu.memory_space<vmem>>)
      "tpu.region"() ({
        %run_scoped3A_115 = tpu.sem_alloc : memref<!tpu.dma_semaphore, #tpu.memory_space<semaphore_mem>>
        %dma_start3A_116 = arith.constant 0 : i32
        %dma_start3A_117 = tpu.memref_slice %arg8[%mul3A_82, %dma_start3A_116] : memref<40x128xi32, #tpu.memory_space<vmem>> -> memref<1x128xi32, #tpu.memory_space<vmem>>
        %dma_start3A_118 = tpu.memref_squeeze %dma_start3A_117 : memref<1x128xi32, #tpu.memory_space<vmem>> -> memref<128xi32, #tpu.memory_space<vmem>>
        %dma_start3A_119 = arith.constant 0 : i32
        %dma_start3A_120 = arith.constant 0 : i32
        %dma_start3A_121 = tpu.memref_slice %arg11[%dma_start3A_119, %dma_start3A_120] : memref<10240x128xf32, #tpu.memory_space<vmem_shared>> -> memref<10240x128xf32, #tpu.memory_space<vmem_shared>>
        tpu.enqueue_indirect_dma source(%arg9 : memref<128x128xf32, #tpu.memory_space<vmem>>) target(%dma_start3A_121 : memref<10240x128xf32, #tpu.memory_space<vmem_shared>>) offsets(%dma_start3A_118 : memref<128xi32, #tpu.memory_space<vmem>>) semaphore(%run_scoped3A_115 : memref<!tpu.dma_semaphore, #tpu.memory_space<semaphore_mem>>) {add = true}
        %dma_wait3A_122 = arith.constant 0 : i32
        %dma_wait3A_123 = tpu.memref_slice %arg8[%mul3A_82, %dma_wait3A_122] : memref<40x128xi32, #tpu.memory_space<vmem>> -> memref<1x128xi32, #tpu.memory_space<vmem>>
        %dma_wait3A_124 = tpu.memref_squeeze %dma_wait3A_123 : memref<1x128xi32, #tpu.memory_space<vmem>> -> memref<128xi32, #tpu.memory_space<vmem>>
        %dma_wait3A_125 = arith.constant 0 : i32
        %dma_wait3A_126 = arith.constant 0 : i32
        %dma_wait3A_127 = tpu.memref_slice %arg11[%dma_wait3A_125, %dma_wait3A_126] : memref<10240x128xf32, #tpu.memory_space<vmem_shared>> -> memref<10240x128xf32, #tpu.memory_space<vmem_shared>>
        tpu.wait_indirect_dma semaphore(%run_scoped3A_115 : memref<!tpu.dma_semaphore, #tpu.memory_space<semaphore_mem>>) src(%arg9 : memref<128x128xf32, #tpu.memory_space<vmem>>) dst(%dma_wait3A_127 : memref<10240x128xf32, #tpu.memory_space<vmem_shared>>)
        tpu.yield
      }) : () -> ()
      %add3A_98 = arith.constant 2 : i32
      %add3A_99 = arith.addi %mul3A_82, %add3A_98 : i32
      %dma_start3A_100 = arith.constant 0 : i32
      %dma_start3A_101 = tpu.memref_slice %arg7[%add3A_99, %dma_start3A_100] : memref<40x128xi32, #tpu.memory_space<vmem>> -> memref<1x128xi32, #tpu.memory_space<vmem>>
      %dma_start3A_102 = tpu.memref_squeeze %dma_start3A_101 : memref<1x128xi32, #tpu.memory_space<vmem>> -> memref<128xi32, #tpu.memory_space<vmem>>
      %dma_start3A_103 = arith.constant 0 : i32
      %dma_start3A_104 = arith.constant 0 : i32
      %dma_start3A_105 = tpu.memref_slice %arg4[%dma_start3A_103, %dma_start3A_104] : memref<10000x128xf32, #tpu.memory_space<hbm>> -> memref<10000x128xf32, #tpu.memory_space<hbm>>
      tpu.enqueue_indirect_dma source(%dma_start3A_105 : memref<10000x128xf32, #tpu.memory_space<hbm>>) target(%arg9 : memref<128x128xf32, #tpu.memory_space<vmem>>) offsets(%dma_start3A_102 : memref<128xi32, #tpu.memory_space<vmem>>) semaphore(%arg12 : memref<!tpu.dma_semaphore, #tpu.memory_space<semaphore_mem>>)
      %dma_wait3A_106 = arith.constant 0 : i32
      %dma_wait3A_107 = arith.constant 0 : i32
      %dma_wait3A_108 = tpu.memref_slice %arg7[%dma_wait3A_106, %dma_wait3A_107] : memref<40x128xi32, #tpu.memory_space<vmem>> -> memref<1x128xi32, #tpu.memory_space<vmem>>
      %dma_wait3A_109 = tpu.memref_squeeze %dma_wait3A_108 : memref<1x128xi32, #tpu.memory_space<vmem>> -> memref<128xi32, #tpu.memory_space<vmem>>
      %dma_wait3A_110 = arith.constant 0 : i32
      %dma_wait3A_111 = arith.constant 0 : i32
      %dma_wait3A_112 = tpu.memref_slice %arg4[%dma_wait3A_110, %dma_wait3A_111] : memref<10000x128xf32, #tpu.memory_space<hbm>> -> memref<10000x128xf32, #tpu.memory_space<hbm>>
      tpu.wait_indirect_dma semaphore(%arg13 : memref<!tpu.dma_semaphore, #tpu.memory_space<semaphore_mem>>) src(%dma_wait3A_112 : memref<10000x128xf32, #tpu.memory_space<hbm>>) dst(%arg10 : memref<128x128xf32, #tpu.memory_space<vmem>>)
      %add3A_113 = arith.constant 1 : i32
      %add3A_114 = arith.addi %mul3A_82, %add3A_113 : i32
      "tpu.region"() ({
        %run_scoped3A_115 = tpu.sem_alloc : memref<!tpu.dma_semaphore, #tpu.memory_space<semaphore_mem>>
        %dma_start3A_116 = arith.constant 0 : i32
        %dma_start3A_117 = tpu.memref_slice %arg8[%add3A_114, %dma_start3A_116] : memref<40x128xi32, #tpu.memory_space<vmem>> -> memref<1x128xi32, #tpu.memory_space<vmem>>
        %dma_start3A_118 = tpu.memref_squeeze %dma_start3A_117 : memref<1x128xi32, #tpu.memory_space<vmem>> -> memref<128xi32, #tpu.memory_space<vmem>>
        %dma_start3A_119 = arith.constant 0 : i32
        %dma_start3A_120 = arith.constant 0 : i32
        %dma_start3A_121 = tpu.memref_slice %arg11[%dma_start3A_119, %dma_start3A_120] : memref<10240x128xf32, #tpu.memory_space<vmem_shared>> -> memref<10240x128xf32, #tpu.memory_space<vmem_shared>>
        tpu.enqueue_indirect_dma source(%arg10 : memref<128x128xf32, #tpu.memory_space<vmem>>) target(%dma_start3A_121 : memref<10240x128xf32, #tpu.memory_space<vmem_shared>>) offsets(%dma_start3A_118 : memref<128xi32, #tpu.memory_space<vmem>>) semaphore(%run_scoped3A_115 : memref<!tpu.dma_semaphore, #tpu.memory_space<semaphore_mem>>) {add = true}
        %dma_wait3A_122 = arith.constant 0 : i32
        %dma_wait3A_123 = tpu.memref_slice %arg8[%add3A_114, %dma_wait3A_122] : memref<40x128xi32, #tpu.memory_space<vmem>> -> memref<1x128xi32, #tpu.memory_space<vmem>>
        %dma_wait3A_124 = tpu.memref_squeeze %dma_wait3A_123 : memref<1x128xi32, #tpu.memory_space<vmem>> -> memref<128xi32, #tpu.memory_space<vmem>>
        %dma_wait3A_125 = arith.constant 0 : i32
        %dma_wait3A_126 = arith.constant 0 : i32
        %dma_wait3A_127 = tpu.memref_slice %arg11[%dma_wait3A_125, %dma_wait3A_126] : memref<10240x128xf32, #tpu.memory_space<vmem_shared>> -> memref<10240x128xf32, #tpu.memory_space<vmem_shared>>
        tpu.wait_indirect_dma semaphore(%run_scoped3A_115 : memref<!tpu.dma_semaphore, #tpu.memory_space<semaphore_mem>>) src(%arg10 : memref<128x128xf32, #tpu.memory_space<vmem>>) dst(%dma_wait3A_127 : memref<10240x128xf32, #tpu.memory_space<vmem_shared>>)
        tpu.yield
      }) : () -> ()
    }
    %scan3A_14 = arith.constant 19 : i32
    %dma_start3A_15 = arith.constant 39 : i32
    %dma_start3A_16 = arith.constant 0 : i32
    %dma_start3A_17 = tpu.memref_slice %arg7[%dma_start3A_15, %dma_start3A_16] : memref<40x128xi32, #tpu.memory_space<vmem>> -> memref<1x128xi32, #tpu.memory_space<vmem>>
    %dma_start3A_18 = tpu.memref_squeeze %dma_start3A_17 : memref<1x128xi32, #tpu.memory_space<vmem>> -> memref<128xi32, #tpu.memory_space<vmem>>
    %dma_start3A_19 = arith.constant 0 : i32
    %dma_start3A_20 = arith.constant 0 : i32
    %dma_start3A_21 = tpu.memref_slice %arg4[%dma_start3A_19, %dma_start3A_20] : memref<10000x128xf32, #tpu.memory_space<hbm>> -> memref<10000x128xf32, #tpu.memory_space<hbm>>
    tpu.enqueue_indirect_dma source(%dma_start3A_21 : memref<10000x128xf32, #tpu.memory_space<hbm>>) target(%arg10 : memref<128x128xf32, #tpu.memory_space<vmem>>) offsets(%dma_start3A_18 : memref<128xi32, #tpu.memory_space<vmem>>) semaphore(%arg13 : memref<!tpu.dma_semaphore, #tpu.memory_space<semaphore_mem>>)
    %dma_wait3A = arith.constant 0 : i32
    %dma_wait3A_22 = arith.constant 0 : i32
    %dma_wait3A_23 = tpu.memref_slice %arg7[%dma_wait3A, %dma_wait3A_22] : memref<40x128xi32, #tpu.memory_space<vmem>> -> memref<1x128xi32, #tpu.memory_space<vmem>>
    %dma_wait3A_24 = tpu.memref_squeeze %dma_wait3A_23 : memref<1x128xi32, #tpu.memory_space<vmem>> -> memref<128xi32, #tpu.memory_space<vmem>>
    %dma_wait3A_25 = arith.constant 0 : i32
    %dma_wait3A_26 = arith.constant 0 : i32
    %dma_wait3A_27 = tpu.memref_slice %arg4[%dma_wait3A_25, %dma_wait3A_26] : memref<10000x128xf32, #tpu.memory_space<hbm>> -> memref<10000x128xf32, #tpu.memory_space<hbm>>
    tpu.wait_indirect_dma semaphore(%arg12 : memref<!tpu.dma_semaphore, #tpu.memory_space<semaphore_mem>>) src(%dma_wait3A_27 : memref<10000x128xf32, #tpu.memory_space<hbm>>) dst(%arg9 : memref<128x128xf32, #tpu.memory_space<vmem>>)
    %run_scoped3A = arith.constant 38 : i32
    "tpu.region"() ({
      %run_scoped3A_76 = tpu.sem_alloc : memref<!tpu.dma_semaphore, #tpu.memory_space<semaphore_mem>>
      %dma_start3A_77 = arith.constant 0 : i32
      %dma_start3A_78 = tpu.memref_slice %arg8[%run_scoped3A, %dma_start3A_77] : memref<40x128xi32, #tpu.memory_space<vmem>> -> memref<1x128xi32, #tpu.memory_space<vmem>>
      %dma_start3A_79 = tpu.memref_squeeze %dma_start3A_78 : memref<1x128xi32, #tpu.memory_space<vmem>> -> memref<128xi32, #tpu.memory_space<vmem>>
      %dma_start3A_80 = arith.constant 0 : i32
      %dma_start3A_81 = arith.constant 0 : i32
      %dma_start3A_82 = tpu.memref_slice %arg11[%dma_start3A_80, %dma_start3A_81] : memref<10240x128xf32, #tpu.memory_space<vmem_shared>> -> memref<10240x128xf32, #tpu.memory_space<vmem_shared>>
      tpu.enqueue_indirect_dma source(%arg9 : memref<128x128xf32, #tpu.memory_space<vmem>>) target(%dma_start3A_82 : memref<10240x128xf32, #tpu.memory_space<vmem_shared>>) offsets(%dma_start3A_79 : memref<128xi32, #tpu.memory_space<vmem>>) semaphore(%run_scoped3A_76 : memref<!tpu.dma_semaphore, #tpu.memory_space<semaphore_mem>>) {add = true}
      %dma_wait3A_83 = arith.constant 0 : i32
      %dma_wait3A_84 = tpu.memref_slice %arg8[%run_scoped3A, %dma_wait3A_83] : memref<40x128xi32, #tpu.memory_space<vmem>> -> memref<1x128xi32, #tpu.memory_space<vmem>>
      %dma_wait3A_85 = tpu.memref_squeeze %dma_wait3A_84 : memref<1x128xi32, #tpu.memory_space<vmem>> -> memref<128xi32, #tpu.memory_space<vmem>>
      %dma_wait3A_86 = arith.constant 0 : i32
      %dma_wait3A_87 = arith.constant 0 : i32
      %dma_wait3A_88 = tpu.memref_slice %arg11[%dma_wait3A_86, %dma_wait3A_87] : memref<10240x128xf32, #tpu.memory_space<vmem_shared>> -> memref<10240x128xf32, #tpu.memory_space<vmem_shared>>
      tpu.wait_indirect_dma semaphore(%run_scoped3A_76 : memref<!tpu.dma_semaphore, #tpu.memory_space<semaphore_mem>>) src(%arg9 : memref<128x128xf32, #tpu.memory_space<vmem>>) dst(%dma_wait3A_88 : memref<10240x128xf32, #tpu.memory_space<vmem_shared>>)
      tpu.yield
    }) : () -> ()
    %dma_wait3A_28 = arith.constant 0 : i32
    %dma_wait3A_29 = arith.constant 0 : i32
    %dma_wait3A_30 = tpu.memref_slice %arg7[%dma_wait3A_28, %dma_wait3A_29] : memref<40x128xi32, #tpu.memory_space<vmem>> -> memref<1x128xi32, #tpu.memory_space<vmem>>
    %dma_wait3A_31 = tpu.memref_squeeze %dma_wait3A_30 : memref<1x128xi32, #tpu.memory_space<vmem>> -> memref<128xi32, #tpu.memory_space<vmem>>
    %dma_wait3A_32 = arith.constant 0 : i32
    %dma_wait3A_33 = arith.constant 0 : i32
    %dma_wait3A_34 = tpu.memref_slice %arg4[%dma_wait3A_32, %dma_wait3A_33] : memref<10000x128xf32, #tpu.memory_space<hbm>> -> memref<10000x128xf32, #tpu.memory_space<hbm>>
    tpu.wait_indirect_dma semaphore(%arg13 : memref<!tpu.dma_semaphore, #tpu.memory_space<semaphore_mem>>) src(%dma_wait3A_34 : memref<10000x128xf32, #tpu.memory_space<hbm>>) dst(%arg10 : memref<128x128xf32, #tpu.memory_space<vmem>>)
    %run_scoped3A_35 = arith.constant 39 : i32
    "tpu.region"() ({
      %run_scoped3A_76 = tpu.sem_alloc : memref<!tpu.dma_semaphore, #tpu.memory_space<semaphore_mem>>
      %dma_start3A_77 = arith.constant 0 : i32
      %dma_start3A_78 = tpu.memref_slice %arg8[%run_scoped3A_35, %dma_start3A_77] : memref<40x128xi32, #tpu.memory_space<vmem>> -> memref<1x128xi32, #tpu.memory_space<vmem>>
      %dma_start3A_79 = tpu.memref_squeeze %dma_start3A_78 : memref<1x128xi32, #tpu.memory_space<vmem>> -> memref<128xi32, #tpu.memory_space<vmem>>
      %dma_start3A_80 = arith.constant 0 : i32
      %dma_start3A_81 = arith.constant 0 : i32
      %dma_start3A_82 = tpu.memref_slice %arg11[%dma_start3A_80, %dma_start3A_81] : memref<10240x128xf32, #tpu.memory_space<vmem_shared>> -> memref<10240x128xf32, #tpu.memory_space<vmem_shared>>
      tpu.enqueue_indirect_dma source(%arg10 : memref<128x128xf32, #tpu.memory_space<vmem>>) target(%dma_start3A_82 : memref<10240x128xf32, #tpu.memory_space<vmem_shared>>) offsets(%dma_start3A_79 : memref<128xi32, #tpu.memory_space<vmem>>) semaphore(%run_scoped3A_76 : memref<!tpu.dma_semaphore, #tpu.memory_space<semaphore_mem>>) {add = true}
      %dma_wait3A_83 = arith.constant 0 : i32
      %dma_wait3A_84 = tpu.memref_slice %arg8[%run_scoped3A_35, %dma_wait3A_83] : memref<40x128xi32, #tpu.memory_space<vmem>> -> memref<1x128xi32, #tpu.memory_space<vmem>>
      %dma_wait3A_85 = tpu.memref_squeeze %dma_wait3A_84 : memref<1x128xi32, #tpu.memory_space<vmem>> -> memref<128xi32, #tpu.memory_space<vmem>>
      %dma_wait3A_86 = arith.constant 0 : i32
      %dma_wait3A_87 = arith.constant 0 : i32
      %dma_wait3A_88 = tpu.memref_slice %arg11[%dma_wait3A_86, %dma_wait3A_87] : memref<10240x128xf32, #tpu.memory_space<vmem_shared>> -> memref<10240x128xf32, #tpu.memory_space<vmem_shared>>
      tpu.wait_indirect_dma semaphore(%run_scoped3A_76 : memref<!tpu.dma_semaphore, #tpu.memory_space<semaphore_mem>>) src(%arg10 : memref<128x128xf32, #tpu.memory_space<vmem>>) dst(%dma_wait3A_88 : memref<10240x128xf32, #tpu.memory_space<vmem_shared>>)
      tpu.yield
    }) : () -> ()
    "tpu.region"() ({
      %run_scoped3A_76 = tpu.sem_alloc : memref<!tpu.dma_semaphore, #tpu.memory_space<semaphore_mem>>
      %dma_start3A_77 = arith.constant 0 : i32
      %dma_start3A_78 = arith.constant 0 : i32
      %dma_start3A_79 = tpu.memref_slice %arg2[%add3A, %dma_start3A_77, %dma_start3A_78] : memref<32x80x128xi32, #tpu.memory_space<hbm>> -> memref<1x80x128xi32, #tpu.memory_space<hbm>>
      %dma_start3A_80 = tpu.memref_squeeze %dma_start3A_79 : memref<1x80x128xi32, #tpu.memory_space<hbm>> -> memref<80x128xi32, #tpu.memory_space<hbm>>
      %dma_start3A_81 = arith.constant 40 : i32
      %dma_start3A_82 = arith.constant 0 : i32
      %dma_start3A_83 = tpu.memref_slice %dma_start3A_80[%dma_start3A_81, %dma_start3A_82] : memref<80x128xi32, #tpu.memory_space<hbm>> -> memref<40x128xi32, #tpu.memory_space<hbm>>
      %dma_start3A_84 = arith.constant 0 : i32
      %dma_start3A_85 = arith.constant 0 : i32
      %dma_start3A_86 = tpu.memref_slice %arg2[%add3A, %dma_start3A_84, %dma_start3A_85] : memref<32x80x128xi32, #tpu.memory_space<hbm>> -> memref<1x80x128xi32, #tpu.memory_space<hbm>>
      %dma_start3A_87 = tpu.memref_squeeze %dma_start3A_86 : memref<1x80x128xi32, #tpu.memory_space<hbm>> -> memref<80x128xi32, #tpu.memory_space<hbm>>
      %dma_start3A_88 = arith.constant 40 : i32
      %dma_start3A_89 = arith.constant 0 : i32
      %dma_start3A_90 = tpu.memref_slice %dma_start3A_87[%dma_start3A_88, %dma_start3A_89] : memref<80x128xi32, #tpu.memory_space<hbm>> -> memref<40x128xi32, #tpu.memory_space<hbm>>
      tpu.enqueue_dma source(%dma_start3A_90 : memref<40x128xi32, #tpu.memory_space<hbm>>) target(%arg7 : memref<40x128xi32, #tpu.memory_space<vmem>>) target_semaphore(%run_scoped3A_76 : memref<!tpu.dma_semaphore, #tpu.memory_space<semaphore_mem>>)
      %dma_wait3A_91 = arith.constant 0 : i32
      %dma_wait3A_92 = arith.constant 0 : i32
      %dma_wait3A_93 = tpu.memref_slice %arg2[%add3A, %dma_wait3A_91, %dma_wait3A_92] : memref<32x80x128xi32, #tpu.memory_space<hbm>> -> memref<1x80x128xi32, #tpu.memory_space<hbm>>
      %dma_wait3A_94 = tpu.memref_squeeze %dma_wait3A_93 : memref<1x80x128xi32, #tpu.memory_space<hbm>> -> memref<80x128xi32, #tpu.memory_space<hbm>>
      %dma_wait3A_95 = arith.constant 40 : i32
      %dma_wait3A_96 = arith.constant 0 : i32
      %dma_wait3A_97 = tpu.memref_slice %dma_wait3A_94[%dma_wait3A_95, %dma_wait3A_96] : memref<80x128xi32, #tpu.memory_space<hbm>> -> memref<40x128xi32, #tpu.memory_space<hbm>>
      %dma_wait3A_98 = arith.constant 0 : i32
      %dma_wait3A_99 = arith.constant 0 : i32
      %dma_wait3A_100 = tpu.memref_slice %arg2[%add3A, %dma_wait3A_98, %dma_wait3A_99] : memref<32x80x128xi32, #tpu.memory_space<hbm>> -> memref<1x80x128xi32, #tpu.memory_space<hbm>>
      %dma_wait3A_101 = tpu.memref_squeeze %dma_wait3A_100 : memref<1x80x128xi32, #tpu.memory_space<hbm>> -> memref<80x128xi32, #tpu.memory_space<hbm>>
      %dma_wait3A_102 = arith.constant 40 : i32
      %dma_wait3A_103 = arith.constant 0 : i32
      %dma_wait3A_104 = tpu.memref_slice %dma_wait3A_101[%dma_wait3A_102, %dma_wait3A_103] : memref<80x128xi32, #tpu.memory_space<hbm>> -> memref<40x128xi32, #tpu.memory_space<hbm>>
      tpu.wait_dma2 semaphore(%run_scoped3A_76 : memref<!tpu.dma_semaphore, #tpu.memory_space<semaphore_mem>>) src(%dma_wait3A_104 : memref<40x128xi32, #tpu.memory_space<hbm>>) dst(%arg7 : memref<40x128xi32, #tpu.memory_space<vmem>>)
      tpu.yield
    }) : () -> ()
    "tpu.region"() ({
      %run_scoped3A_76 = tpu.sem_alloc : memref<!tpu.dma_semaphore, #tpu.memory_space<semaphore_mem>>
      %dma_start3A_77 = arith.constant 0 : i32
      %dma_start3A_78 = arith.constant 0 : i32
      %dma_start3A_79 = tpu.memref_slice %arg3[%add3A, %dma_start3A_77, %dma_start3A_78] : memref<32x80x128xi32, #tpu.memory_space<hbm>> -> memref<1x80x128xi32, #tpu.memory_space<hbm>>
      %dma_start3A_80 = tpu.memref_squeeze %dma_start3A_79 : memref<1x80x128xi32, #tpu.memory_space<hbm>> -> memref<80x128xi32, #tpu.memory_space<hbm>>
      %dma_start3A_81 = arith.constant 40 : i32
      %dma_start3A_82 = arith.constant 0 : i32
      %dma_start3A_83 = tpu.memref_slice %dma_start3A_80[%dma_start3A_81, %dma_start3A_82] : memref<80x128xi32, #tpu.memory_space<hbm>> -> memref<40x128xi32, #tpu.memory_space<hbm>>
      %dma_start3A_84 = arith.constant 0 : i32
      %dma_start3A_85 = arith.constant 0 : i32
      %dma_start3A_86 = tpu.memref_slice %arg3[%add3A, %dma_start3A_84, %dma_start3A_85] : memref<32x80x128xi32, #tpu.memory_space<hbm>> -> memref<1x80x128xi32, #tpu.memory_space<hbm>>
      %dma_start3A_87 = tpu.memref_squeeze %dma_start3A_86 : memref<1x80x128xi32, #tpu.memory_space<hbm>> -> memref<80x128xi32, #tpu.memory_space<hbm>>
      %dma_start3A_88 = arith.constant 40 : i32
      %dma_start3A_89 = arith.constant 0 : i32
      %dma_start3A_90 = tpu.memref_slice %dma_start3A_87[%dma_start3A_88, %dma_start3A_89] : memref<80x128xi32, #tpu.memory_space<hbm>> -> memref<40x128xi32, #tpu.memory_space<hbm>>
      tpu.enqueue_dma source(%dma_start3A_90 : memref<40x128xi32, #tpu.memory_space<hbm>>) target(%arg8 : memref<40x128xi32, #tpu.memory_space<vmem>>) target_semaphore(%run_scoped3A_76 : memref<!tpu.dma_semaphore, #tpu.memory_space<semaphore_mem>>)
      %dma_wait3A_91 = arith.constant 0 : i32
      %dma_wait3A_92 = arith.constant 0 : i32
      %dma_wait3A_93 = tpu.memref_slice %arg3[%add3A, %dma_wait3A_91, %dma_wait3A_92] : memref<32x80x128xi32, #tpu.memory_space<hbm>> -> memref<1x80x128xi32, #tpu.memory_space<hbm>>
      %dma_wait3A_94 = tpu.memref_squeeze %dma_wait3A_93 : memref<1x80x128xi32, #tpu.memory_space<hbm>> -> memref<80x128xi32, #tpu.memory_space<hbm>>
      %dma_wait3A_95 = arith.constant 40 : i32
      %dma_wait3A_96 = arith.constant 0 : i32
      %dma_wait3A_97 = tpu.memref_slice %dma_wait3A_94[%dma_wait3A_95, %dma_wait3A_96] : memref<80x128xi32, #tpu.memory_space<hbm>> -> memref<40x128xi32, #tpu.memory_space<hbm>>
      %dma_wait3A_98 = arith.constant 0 : i32
      %dma_wait3A_99 = arith.constant 0 : i32
      %dma_wait3A_100 = tpu.memref_slice %arg3[%add3A, %dma_wait3A_98, %dma_wait3A_99] : memref<32x80x128xi32, #tpu.memory_space<hbm>> -> memref<1x80x128xi32, #tpu.memory_space<hbm>>
      %dma_wait3A_101 = tpu.memref_squeeze %dma_wait3A_100 : memref<1x80x128xi32, #tpu.memory_space<hbm>> -> memref<80x128xi32, #tpu.memory_space<hbm>>
      %dma_wait3A_102 = arith.constant 40 : i32
      %dma_wait3A_103 = arith.constant 0 : i32
      %dma_wait3A_104 = tpu.memref_slice %dma_wait3A_101[%dma_wait3A_102, %dma_wait3A_103] : memref<80x128xi32, #tpu.memory_space<hbm>> -> memref<40x128xi32, #tpu.memory_space<hbm>>
      tpu.wait_dma2 semaphore(%run_scoped3A_76 : memref<!tpu.dma_semaphore, #tpu.memory_space<semaphore_mem>>) src(%dma_wait3A_104 : memref<40x128xi32, #tpu.memory_space<hbm>>) dst(%arg8 : memref<40x128xi32, #tpu.memory_space<vmem>>)
      tpu.yield
    }) : () -> ()
    %dma_start3A_36 = arith.constant 0 : i32
    %dma_start3A_37 = arith.constant 0 : i32
    %dma_start3A_38 = tpu.memref_slice %arg7[%dma_start3A_36, %dma_start3A_37] : memref<40x128xi32, #tpu.memory_space<vmem>> -> memref<1x128xi32, #tpu.memory_space<vmem>>
    %dma_start3A_39 = tpu.memref_squeeze %dma_start3A_38 : memref<1x128xi32, #tpu.memory_space<vmem>> -> memref<128xi32, #tpu.memory_space<vmem>>
    %dma_start3A_40 = arith.constant 0 : i32
    %dma_start3A_41 = arith.constant 0 : i32
    %dma_start3A_42 = tpu.memref_slice %arg4[%dma_start3A_40, %dma_start3A_41] : memref<10000x128xf32, #tpu.memory_space<hbm>> -> memref<10000x128xf32, #tpu.memory_space<hbm>>
    tpu.enqueue_indirect_dma source(%dma_start3A_42 : memref<10000x128xf32, #tpu.memory_space<hbm>>) target(%arg9 : memref<128x128xf32, #tpu.memory_space<vmem>>) offsets(%dma_start3A_39 : memref<128xi32, #tpu.memory_space<vmem>>) semaphore(%arg12 : memref<!tpu.dma_semaphore, #tpu.memory_space<semaphore_mem>>)
    %scan3A_43 = arith.constant 0 : i32
    %scan3A_44 = arith.constant 19 : i32
    %scan3A_45 = arith.addi %scan3A_43, %scan3A_44 : i32
    %scan3A_46 = arith.constant 1 : i32
    scf.for %scan3A_76 = %scan3A_43 to %scan3A_45 step %scan3A_46  : i32 {
      %mul3A_77 = arith.constant 1 : i32
      %mul3A_78 = arith.muli %scan3A_76, %mul3A_77 : i32
      %add3A_79 = arith.constant 0 : i32
      %add3A_80 = arith.addi %add3A_79, %mul3A_78 : i32
      %mul3A_81 = arith.constant 2 : i32
      %mul3A_82 = arith.muli %mul3A_81, %add3A_80 : i32
      %add3A_83 = arith.constant 1 : i32
      %add3A_84 = arith.addi %mul3A_82, %add3A_83 : i32
      %dma_start3A_85 = arith.constant 0 : i32
      %dma_start3A_86 = tpu.memref_slice %arg7[%add3A_84, %dma_start3A_85] : memref<40x128xi32, #tpu.memory_space<vmem>> -> memref<1x128xi32, #tpu.memory_space<vmem>>
      %dma_start3A_87 = tpu.memref_squeeze %dma_start3A_86 : memref<1x128xi32, #tpu.memory_space<vmem>> -> memref<128xi32, #tpu.memory_space<vmem>>
      %dma_start3A_88 = arith.constant 0 : i32
      %dma_start3A_89 = arith.constant 0 : i32
      %dma_start3A_90 = tpu.memref_slice %arg4[%dma_start3A_88, %dma_start3A_89] : memref<10000x128xf32, #tpu.memory_space<hbm>> -> memref<10000x128xf32, #tpu.memory_space<hbm>>
      tpu.enqueue_indirect_dma source(%dma_start3A_90 : memref<10000x128xf32, #tpu.memory_space<hbm>>) target(%arg10 : memref<128x128xf32, #tpu.memory_space<vmem>>) offsets(%dma_start3A_87 : memref<128xi32, #tpu.memory_space<vmem>>) semaphore(%arg13 : memref<!tpu.dma_semaphore, #tpu.memory_space<semaphore_mem>>)
      %dma_wait3A_91 = arith.constant 0 : i32
      %dma_wait3A_92 = arith.constant 0 : i32
      %dma_wait3A_93 = tpu.memref_slice %arg7[%dma_wait3A_91, %dma_wait3A_92] : memref<40x128xi32, #tpu.memory_space<vmem>> -> memref<1x128xi32, #tpu.memory_space<vmem>>
      %dma_wait3A_94 = tpu.memref_squeeze %dma_wait3A_93 : memref<1x128xi32, #tpu.memory_space<vmem>> -> memref<128xi32, #tpu.memory_space<vmem>>
      %dma_wait3A_95 = arith.constant 0 : i32
      %dma_wait3A_96 = arith.constant 0 : i32
      %dma_wait3A_97 = tpu.memref_slice %arg4[%dma_wait3A_95, %dma_wait3A_96] : memref<10000x128xf32, #tpu.memory_space<hbm>> -> memref<10000x128xf32, #tpu.memory_space<hbm>>
      tpu.wait_indirect_dma semaphore(%arg12 : memref<!tpu.dma_semaphore, #tpu.memory_space<semaphore_mem>>) src(%dma_wait3A_97 : memref<10000x128xf32, #tpu.memory_space<hbm>>) dst(%arg9 : memref<128x128xf32, #tpu.memory_space<vmem>>)
      "tpu.region"() ({
        %run_scoped3A_115 = tpu.sem_alloc : memref<!tpu.dma_semaphore, #tpu.memory_space<semaphore_mem>>
        %dma_start3A_116 = arith.constant 0 : i32
        %dma_start3A_117 = tpu.memref_slice %arg8[%mul3A_82, %dma_start3A_116] : memref<40x128xi32, #tpu.memory_space<vmem>> -> memref<1x128xi32, #tpu.memory_space<vmem>>
        %dma_start3A_118 = tpu.memref_squeeze %dma_start3A_117 : memref<1x128xi32, #tpu.memory_space<vmem>> -> memref<128xi32, #tpu.memory_space<vmem>>
        %dma_start3A_119 = arith.constant 0 : i32
        %dma_start3A_120 = arith.constant 0 : i32
        %dma_start3A_121 = tpu.memref_slice %arg11[%dma_start3A_119, %dma_start3A_120] : memref<10240x128xf32, #tpu.memory_space<vmem_shared>> -> memref<10240x128xf32, #tpu.memory_space<vmem_shared>>
        tpu.enqueue_indirect_dma source(%arg9 : memref<128x128xf32, #tpu.memory_space<vmem>>) target(%dma_start3A_121 : memref<10240x128xf32, #tpu.memory_space<vmem_shared>>) offsets(%dma_start3A_118 : memref<128xi32, #tpu.memory_space<vmem>>) semaphore(%run_scoped3A_115 : memref<!tpu.dma_semaphore, #tpu.memory_space<semaphore_mem>>) {add = true}
        %dma_wait3A_122 = arith.constant 0 : i32
        %dma_wait3A_123 = tpu.memref_slice %arg8[%mul3A_82, %dma_wait3A_122] : memref<40x128xi32, #tpu.memory_space<vmem>> -> memref<1x128xi32, #tpu.memory_space<vmem>>
        %dma_wait3A_124 = tpu.memref_squeeze %dma_wait3A_123 : memref<1x128xi32, #tpu.memory_space<vmem>> -> memref<128xi32, #tpu.memory_space<vmem>>
        %dma_wait3A_125 = arith.constant 0 : i32
        %dma_wait3A_126 = arith.constant 0 : i32
        %dma_wait3A_127 = tpu.memref_slice %arg11[%dma_wait3A_125, %dma_wait3A_126] : memref<10240x128xf32, #tpu.memory_space<vmem_shared>> -> memref<10240x128xf32, #tpu.memory_space<vmem_shared>>
        tpu.wait_indirect_dma semaphore(%run_scoped3A_115 : memref<!tpu.dma_semaphore, #tpu.memory_space<semaphore_mem>>) src(%arg9 : memref<128x128xf32, #tpu.memory_space<vmem>>) dst(%dma_wait3A_127 : memref<10240x128xf32, #tpu.memory_space<vmem_shared>>)
        tpu.yield
      }) : () -> ()
      %add3A_98 = arith.constant 2 : i32
      %add3A_99 = arith.addi %mul3A_82, %add3A_98 : i32
      %dma_start3A_100 = arith.constant 0 : i32
      %dma_start3A_101 = tpu.memref_slice %arg7[%add3A_99, %dma_start3A_100] : memref<40x128xi32, #tpu.memory_space<vmem>> -> memref<1x128xi32, #tpu.memory_space<vmem>>
      %dma_start3A_102 = tpu.memref_squeeze %dma_start3A_101 : memref<1x128xi32, #tpu.memory_space<vmem>> -> memref<128xi32, #tpu.memory_space<vmem>>
      %dma_start3A_103 = arith.constant 0 : i32
      %dma_start3A_104 = arith.constant 0 : i32
      %dma_start3A_105 = tpu.memref_slice %arg4[%dma_start3A_103, %dma_start3A_104] : memref<10000x128xf32, #tpu.memory_space<hbm>> -> memref<10000x128xf32, #tpu.memory_space<hbm>>
      tpu.enqueue_indirect_dma source(%dma_start3A_105 : memref<10000x128xf32, #tpu.memory_space<hbm>>) target(%arg9 : memref<128x128xf32, #tpu.memory_space<vmem>>) offsets(%dma_start3A_102 : memref<128xi32, #tpu.memory_space<vmem>>) semaphore(%arg12 : memref<!tpu.dma_semaphore, #tpu.memory_space<semaphore_mem>>)
      %dma_wait3A_106 = arith.constant 0 : i32
      %dma_wait3A_107 = arith.constant 0 : i32
      %dma_wait3A_108 = tpu.memref_slice %arg7[%dma_wait3A_106, %dma_wait3A_107] : memref<40x128xi32, #tpu.memory_space<vmem>> -> memref<1x128xi32, #tpu.memory_space<vmem>>
      %dma_wait3A_109 = tpu.memref_squeeze %dma_wait3A_108 : memref<1x128xi32, #tpu.memory_space<vmem>> -> memref<128xi32, #tpu.memory_space<vmem>>
      %dma_wait3A_110 = arith.constant 0 : i32
      %dma_wait3A_111 = arith.constant 0 : i32
      %dma_wait3A_112 = tpu.memref_slice %arg4[%dma_wait3A_110, %dma_wait3A_111] : memref<10000x128xf32, #tpu.memory_space<hbm>> -> memref<10000x128xf32, #tpu.memory_space<hbm>>
      tpu.wait_indirect_dma semaphore(%arg13 : memref<!tpu.dma_semaphore, #tpu.memory_space<semaphore_mem>>) src(%dma_wait3A_112 : memref<10000x128xf32, #tpu.memory_space<hbm>>) dst(%arg10 : memref<128x128xf32, #tpu.memory_space<vmem>>)
      %add3A_113 = arith.constant 1 : i32
      %add3A_114 = arith.addi %mul3A_82, %add3A_113 : i32
      "tpu.region"() ({
        %run_scoped3A_115 = tpu.sem_alloc : memref<!tpu.dma_semaphore, #tpu.memory_space<semaphore_mem>>
        %dma_start3A_116 = arith.constant 0 : i32
        %dma_start3A_117 = tpu.memref_slice %arg8[%add3A_114, %dma_start3A_116] : memref<40x128xi32, #tpu.memory_space<vmem>> -> memref<1x128xi32, #tpu.memory_space<vmem>>
        %dma_start3A_118 = tpu.memref_squeeze %dma_start3A_117 : memref<1x128xi32, #tpu.memory_space<vmem>> -> memref<128xi32, #tpu.memory_space<vmem>>
        %dma_start3A_119 = arith.constant 0 : i32
        %dma_start3A_120 = arith.constant 0 : i32
        %dma_start3A_121 = tpu.memref_slice %arg11[%dma_start3A_119, %dma_start3A_120] : memref<10240x128xf32, #tpu.memory_space<vmem_shared>> -> memref<10240x128xf32, #tpu.memory_space<vmem_shared>>
        tpu.enqueue_indirect_dma source(%arg10 : memref<128x128xf32, #tpu.memory_space<vmem>>) target(%dma_start3A_121 : memref<10240x128xf32, #tpu.memory_space<vmem_shared>>) offsets(%dma_start3A_118 : memref<128xi32, #tpu.memory_space<vmem>>) semaphore(%run_scoped3A_115 : memref<!tpu.dma_semaphore, #tpu.memory_space<semaphore_mem>>) {add = true}
        %dma_wait3A_122 = arith.constant 0 : i32
        %dma_wait3A_123 = tpu.memref_slice %arg8[%add3A_114, %dma_wait3A_122] : memref<40x128xi32, #tpu.memory_space<vmem>> -> memref<1x128xi32, #tpu.memory_space<vmem>>
        %dma_wait3A_124 = tpu.memref_squeeze %dma_wait3A_123 : memref<1x128xi32, #tpu.memory_space<vmem>> -> memref<128xi32, #tpu.memory_space<vmem>>
        %dma_wait3A_125 = arith.constant 0 : i32
        %dma_wait3A_126 = arith.constant 0 : i32
        %dma_wait3A_127 = tpu.memref_slice %arg11[%dma_wait3A_125, %dma_wait3A_126] : memref<10240x128xf32, #tpu.memory_space<vmem_shared>> -> memref<10240x128xf32, #tpu.memory_space<vmem_shared>>
        tpu.wait_indirect_dma semaphore(%run_scoped3A_115 : memref<!tpu.dma_semaphore, #tpu.memory_space<semaphore_mem>>) src(%arg10 : memref<128x128xf32, #tpu.memory_space<vmem>>) dst(%dma_wait3A_127 : memref<10240x128xf32, #tpu.memory_space<vmem_shared>>)
        tpu.yield
      }) : () -> ()
    }
    %scan3A_47 = arith.constant 19 : i32
    %dma_start3A_48 = arith.constant 39 : i32
    %dma_start3A_49 = arith.constant 0 : i32
    %dma_start3A_50 = tpu.memref_slice %arg7[%dma_start3A_48, %dma_start3A_49] : memref<40x128xi32, #tpu.memory_space<vmem>> -> memref<1x128xi32, #tpu.memory_space<vmem>>
    %dma_start3A_51 = tpu.memref_squeeze %dma_start3A_50 : memref<1x128xi32, #tpu.memory_space<vmem>> -> memref<128xi32, #tpu.memory_space<vmem>>
    %dma_start3A_52 = arith.constant 0 : i32
    %dma_start3A_53 = arith.constant 0 : i32
    %dma_start3A_54 = tpu.memref_slice %arg4[%dma_start3A_52, %dma_start3A_53] : memref<10000x128xf32, #tpu.memory_space<hbm>> -> memref<10000x128xf32, #tpu.memory_space<hbm>>
    tpu.enqueue_indirect_dma source(%dma_start3A_54 : memref<10000x128xf32, #tpu.memory_space<hbm>>) target(%arg10 : memref<128x128xf32, #tpu.memory_space<vmem>>) offsets(%dma_start3A_51 : memref<128xi32, #tpu.memory_space<vmem>>) semaphore(%arg13 : memref<!tpu.dma_semaphore, #tpu.memory_space<semaphore_mem>>)
    %dma_wait3A_55 = arith.constant 0 : i32
    %dma_wait3A_56 = arith.constant 0 : i32
    %dma_wait3A_57 = tpu.memref_slice %arg7[%dma_wait3A_55, %dma_wait3A_56] : memref<40x128xi32, #tpu.memory_space<vmem>> -> memref<1x128xi32, #tpu.memory_space<vmem>>
    %dma_wait3A_58 = tpu.memref_squeeze %dma_wait3A_57 : memref<1x128xi32, #tpu.memory_space<vmem>> -> memref<128xi32, #tpu.memory_space<vmem>>
    %dma_wait3A_59 = arith.constant 0 : i32
    %dma_wait3A_60 = arith.constant 0 : i32
    %dma_wait3A_61 = tpu.memref_slice %arg4[%dma_wait3A_59, %dma_wait3A_60] : memref<10000x128xf32, #tpu.memory_space<hbm>> -> memref<10000x128xf32, #tpu.memory_space<hbm>>
    tpu.wait_indirect_dma semaphore(%arg12 : memref<!tpu.dma_semaphore, #tpu.memory_space<semaphore_mem>>) src(%dma_wait3A_61 : memref<10000x128xf32, #tpu.memory_space<hbm>>) dst(%arg9 : memref<128x128xf32, #tpu.memory_space<vmem>>)
    %run_scoped3A_62 = arith.constant 38 : i32
    "tpu.region"() ({
      %run_scoped3A_76 = tpu.sem_alloc : memref<!tpu.dma_semaphore, #tpu.memory_space<semaphore_mem>>
      %dma_start3A_77 = arith.constant 0 : i32
      %dma_start3A_78 = tpu.memref_slice %arg8[%run_scoped3A_62, %dma_start3A_77] : memref<40x128xi32, #tpu.memory_space<vmem>> -> memref<1x128xi32, #tpu.memory_space<vmem>>
      %dma_start3A_79 = tpu.memref_squeeze %dma_start3A_78 : memref<1x128xi32, #tpu.memory_space<vmem>> -> memref<128xi32, #tpu.memory_space<vmem>>
      %dma_start3A_80 = arith.constant 0 : i32
      %dma_start3A_81 = arith.constant 0 : i32
      %dma_start3A_82 = tpu.memref_slice %arg11[%dma_start3A_80, %dma_start3A_81] : memref<10240x128xf32, #tpu.memory_space<vmem_shared>> -> memref<10240x128xf32, #tpu.memory_space<vmem_shared>>
      tpu.enqueue_indirect_dma source(%arg9 : memref<128x128xf32, #tpu.memory_space<vmem>>) target(%dma_start3A_82 : memref<10240x128xf32, #tpu.memory_space<vmem_shared>>) offsets(%dma_start3A_79 : memref<128xi32, #tpu.memory_space<vmem>>) semaphore(%run_scoped3A_76 : memref<!tpu.dma_semaphore, #tpu.memory_space<semaphore_mem>>) {add = true}
      %dma_wait3A_83 = arith.constant 0 : i32
      %dma_wait3A_84 = tpu.memref_slice %arg8[%run_scoped3A_62, %dma_wait3A_83] : memref<40x128xi32, #tpu.memory_space<vmem>> -> memref<1x128xi32, #tpu.memory_space<vmem>>
      %dma_wait3A_85 = tpu.memref_squeeze %dma_wait3A_84 : memref<1x128xi32, #tpu.memory_space<vmem>> -> memref<128xi32, #tpu.memory_space<vmem>>
      %dma_wait3A_86 = arith.constant 0 : i32
      %dma_wait3A_87 = arith.constant 0 : i32
      %dma_wait3A_88 = tpu.memref_slice %arg11[%dma_wait3A_86, %dma_wait3A_87] : memref<10240x128xf32, #tpu.memory_space<vmem_shared>> -> memref<10240x128xf32, #tpu.memory_space<vmem_shared>>
      tpu.wait_indirect_dma semaphore(%run_scoped3A_76 : memref<!tpu.dma_semaphore, #tpu.memory_space<semaphore_mem>>) src(%arg9 : memref<128x128xf32, #tpu.memory_space<vmem>>) dst(%dma_wait3A_88 : memref<10240x128xf32, #tpu.memory_space<vmem_shared>>)
      tpu.yield
    }) : () -> ()
    %dma_wait3A_63 = arith.constant 0 : i32
    %dma_wait3A_64 = arith.constant 0 : i32
    %dma_wait3A_65 = tpu.memref_slice %arg7[%dma_wait3A_63, %dma_wait3A_64] : memref<40x128xi32, #tpu.memory_space<vmem>> -> memref<1x128xi32, #tpu.memory_space<vmem>>
    %dma_wait3A_66 = tpu.memref_squeeze %dma_wait3A_65 : memref<1x128xi32, #tpu.memory_space<vmem>> -> memref<128xi32, #tpu.memory_space<vmem>>
    %dma_wait3A_67 = arith.constant 0 : i32
    %dma_wait3A_68 = arith.constant 0 : i32
    %dma_wait3A_69 = tpu.memref_slice %arg4[%dma_wait3A_67, %dma_wait3A_68] : memref<10000x128xf32, #tpu.memory_space<hbm>> -> memref<10000x128xf32, #tpu.memory_space<hbm>>
    tpu.wait_indirect_dma semaphore(%arg13 : memref<!tpu.dma_semaphore, #tpu.memory_space<semaphore_mem>>) src(%dma_wait3A_69 : memref<10000x128xf32, #tpu.memory_space<hbm>>) dst(%arg10 : memref<128x128xf32, #tpu.memory_space<vmem>>)
    %run_scoped3A_70 = arith.constant 39 : i32
    "tpu.region"() ({
      %run_scoped3A_76 = tpu.sem_alloc : memref<!tpu.dma_semaphore, #tpu.memory_space<semaphore_mem>>
      %dma_start3A_77 = arith.constant 0 : i32
      %dma_start3A_78 = tpu.memref_slice %arg8[%run_scoped3A_70, %dma_start3A_77] : memref<40x128xi32, #tpu.memory_space<vmem>> -> memref<1x128xi32, #tpu.memory_space<vmem>>
      %dma_start3A_79 = tpu.memref_squeeze %dma_start3A_78 : memref<1x128xi32, #tpu.memory_space<vmem>> -> memref<128xi32, #tpu.memory_space<vmem>>
      %dma_start3A_80 = arith.constant 0 : i32
      %dma_start3A_81 = arith.constant 0 : i32
      %dma_start3A_82 = tpu.memref_slice %arg11[%dma_start3A_80, %dma_start3A_81] : memref<10240x128xf32, #tpu.memory_space<vmem_shared>> -> memref<10240x128xf32, #tpu.memory_space<vmem_shared>>
      tpu.enqueue_indirect_dma source(%arg10 : memref<128x128xf32, #tpu.memory_space<vmem>>) target(%dma_start3A_82 : memref<10240x128xf32, #tpu.memory_space<vmem_shared>>) offsets(%dma_start3A_79 : memref<128xi32, #tpu.memory_space<vmem>>) semaphore(%run_scoped3A_76 : memref<!tpu.dma_semaphore, #tpu.memory_space<semaphore_mem>>) {add = true}
      %dma_wait3A_83 = arith.constant 0 : i32
      %dma_wait3A_84 = tpu.memref_slice %arg8[%run_scoped3A_70, %dma_wait3A_83] : memref<40x128xi32, #tpu.memory_space<vmem>> -> memref<1x128xi32, #tpu.memory_space<vmem>>
      %dma_wait3A_85 = tpu.memref_squeeze %dma_wait3A_84 : memref<1x128xi32, #tpu.memory_space<vmem>> -> memref<128xi32, #tpu.memory_space<vmem>>
      %dma_wait3A_86 = arith.constant 0 : i32
      %dma_wait3A_87 = arith.constant 0 : i32
      %dma_wait3A_88 = tpu.memref_slice %arg11[%dma_wait3A_86, %dma_wait3A_87] : memref<10240x128xf32, #tpu.memory_space<vmem_shared>> -> memref<10240x128xf32, #tpu.memory_space<vmem_shared>>
      tpu.wait_indirect_dma semaphore(%run_scoped3A_76 : memref<!tpu.dma_semaphore, #tpu.memory_space<semaphore_mem>>) src(%arg10 : memref<128x128xf32, #tpu.memory_space<vmem>>) dst(%dma_wait3A_88 : memref<10240x128xf32, #tpu.memory_space<vmem_shared>>)
      tpu.yield
    }) : () -> ()
    %barrier3A_71 = arith.constant 0 : index
    tpu.barrier barrier_id(%barrier3A_71)
    %mul3A_72 = arith.constant 640 : i32
    %mul3A_73 = arith.muli %arg1, %mul3A_72 : i32
    %mul3A_74 = arith.constant 640 : i32
    %mul3A_75 = arith.muli %arg1, %mul3A_74 : i32
    "tpu.region"() ({
      %run_scoped3A_76 = tpu.sem_alloc : memref<!tpu.dma_semaphore, #tpu.memory_space<semaphore_mem>>
      %dma_start3A_77 = arith.constant 0 : i32
      %dma_start3A_78 = arith.constant 0 : i32
      %dma_start3A_79 = tpu.memref_slice %arg6[%arg0, %dma_start3A_77, %dma_start3A_78] : memref<2x10240x128xf32, #tpu.memory_space<hbm>> -> memref<1x10240x128xf32, #tpu.memory_space<hbm>>
      %dma_start3A_80 = tpu.memref_squeeze %dma_start3A_79 : memref<1x10240x128xf32, #tpu.memory_space<hbm>> -> memref<10240x128xf32, #tpu.memory_space<hbm>>
      %dma_start3A_81 = arith.constant 0 : i32
      %dma_start3A_82 = tpu.memref_slice %dma_start3A_80[%mul3A_75, %dma_start3A_81] : memref<10240x128xf32, #tpu.memory_space<hbm>> -> memref<640x128xf32, #tpu.memory_space<hbm>>
      %dma_start3A_83 = arith.constant 0 : i32
      %dma_start3A_84 = tpu.memref_slice %arg11[%mul3A_73, %dma_start3A_83] : memref<10240x128xf32, #tpu.memory_space<vmem_shared>> -> memref<640x128xf32, #tpu.memory_space<vmem_shared>>
      tpu.enqueue_dma source(%dma_start3A_84 : memref<640x128xf32, #tpu.memory_space<vmem_shared>>) target(%dma_start3A_82 : memref<640x128xf32, #tpu.memory_space<hbm>>) target_semaphore(%run_scoped3A_76 : memref<!tpu.dma_semaphore, #tpu.memory_space<semaphore_mem>>)
      %dma_wait3A_85 = arith.constant 0 : i32
      %dma_wait3A_86 = arith.constant 0 : i32
      %dma_wait3A_87 = tpu.memref_slice %arg6[%arg0, %dma_wait3A_85, %dma_wait3A_86] : memref<2x10240x128xf32, #tpu.memory_space<hbm>> -> memref<1x10240x128xf32, #tpu.memory_space<hbm>>
      %dma_wait3A_88 = tpu.memref_squeeze %dma_wait3A_87 : memref<1x10240x128xf32, #tpu.memory_space<hbm>> -> memref<10240x128xf32, #tpu.memory_space<hbm>>
      %dma_wait3A_89 = arith.constant 0 : i32
      %dma_wait3A_90 = tpu.memref_slice %dma_wait3A_88[%mul3A_75, %dma_wait3A_89] : memref<10240x128xf32, #tpu.memory_space<hbm>> -> memref<640x128xf32, #tpu.memory_space<hbm>>
      %dma_wait3A_91 = arith.constant 0 : i32
      %dma_wait3A_92 = tpu.memref_slice %arg11[%mul3A_73, %dma_wait3A_91] : memref<10240x128xf32, #tpu.memory_space<vmem_shared>> -> memref<640x128xf32, #tpu.memory_space<vmem_shared>>
      tpu.wait_dma2 semaphore(%run_scoped3A_76 : memref<!tpu.dma_semaphore, #tpu.memory_space<semaphore_mem>>) src(%dma_wait3A_92 : memref<640x128xf32, #tpu.memory_space<vmem_shared>>) dst(%dma_wait3A_90 : memref<640x128xf32, #tpu.memory_space<hbm>>)
      tpu.yield
    }) : () -> ()
    return
  }
}

module attributes {stable_mosaic.version = 14 : i64} {
  func.func @body(%arg0: i32, %arg1: memref<400x128xf32, #tpu.memory_space<vmem>>, %arg2: memref<1x1x1x400xf32, #tpu.memory_space<vmem>>, %arg3: memref<1x1x1x400xf32, #tpu.memory_space<vmem>>, %arg4: memref<128x128xf32, #tpu.memory_space<vmem>>, %arg5: memref<400x128xf32, #tpu.memory_space<vmem>>, %arg6: memref<400x1xf32, #tpu.memory_space<vmem>>) attributes {dimension_semantics = [#tpu.dimension_semantics<arbitrary>], iteration_bounds = array<i64: 25>, scalar_prefetch = 0 : i64, scratch_operands = 0 : i64, tpu.core_type = #tpu.core_type<tc>, window_params = [{transform_indices = @transform_0, window_bounds = array<i64: 400, 128>}, {transform_indices = @transform_1, window_bounds = array<i64: 1, 1, 1, 400>}, {transform_indices = @transform_2, window_bounds = array<i64: 1, 1, 1, 400>}, {pipeline_mode = #tpu.pipeline_mode<synchronous>, transform_indices = @transform_3, window_bounds = array<i64: 128, 128>}, {transform_indices = @transform_4, window_bounds = array<i64: 400, 128>}, {transform_indices = @transform_5, window_bounds = array<i64: 400, 1>}]} {
    %get3A = arith.constant 0 : index
    %get3A_0 = arith.constant 0 : index
    %get3A_1 = arith.constant 0 : index
    %get3A_2 = arith.constant 0 : index
    %get3A_3 = vector.load %arg2[%get3A, %get3A_0, %get3A_1, %get3A_2] : memref<1x1x1x400xf32, #tpu.memory_space<vmem>>, vector<1x1x1x400xf32>
    %get3A_4 = vector.shape_cast %get3A_3 : vector<1x1x1x400xf32> to vector<400xf32>
    %broadcast_in_dim3A = vector.shape_cast %get3A_4 : vector<400xf32> to vector<400x1xf32>
    %get3A_5 = arith.constant 0 : index
    %get3A_6 = arith.constant 0 : index
    %get3A_7 = arith.constant 0 : index
    %get3A_8 = arith.constant 0 : index
    %get3A_9 = vector.load %arg3[%get3A_5, %get3A_6, %get3A_7, %get3A_8] : memref<1x1x1x400xf32, #tpu.memory_space<vmem>>, vector<1x1x1x400xf32>
    %get3A_10 = vector.shape_cast %get3A_9 : vector<1x1x1x400xf32> to vector<400xf32>
    %broadcast_in_dim3A_11 = vector.shape_cast %get3A_10 : vector<400xf32> to vector<400x1xf32>
    %add3A = arith.addf %broadcast_in_dim3A, %broadcast_in_dim3A_11 : vector<400x1xf32>
    %add3A_12 = arith.constant 1.000000e+00 : f32
    %add3A_13 = vector.broadcast %add3A_12 : f32 to vector<400x1xf32>
    %add3A_14 = arith.addf %add3A, %add3A_13 : vector<400x1xf32>
    %rsqrt3A = math.rsqrt %add3A_14 : vector<400x1xf32>
    %swap3A = arith.constant 0 : index
    %swap3A_15 = arith.constant 0 : index
    %swap3A_16 = vector.load %arg6[%swap3A, %swap3A_15] : memref<400x1xf32, #tpu.memory_space<vmem>>, vector<400x1xf32>
    tpu.vector_store %arg6[%swap3A, %swap3A_15], %rsqrt3A {strides = array<i32>} : memref<400x1xf32, #tpu.memory_space<vmem>>, vector<400x1xf32>,
    %get3A_17 = arith.constant 0 : index
    %get3A_18 = arith.constant 0 : index
    %get3A_19 = vector.load %arg1[%get3A_17, %get3A_18] : memref<400x128xf32, #tpu.memory_space<vmem>>, vector<400x128xf32>
    %mul3A = vector.broadcast %rsqrt3A : vector<400x1xf32> to vector<400x128xf32>
    %mul3A_20 = arith.mulf %get3A_19, %mul3A : vector<400x128xf32>
    %get3A_21 = arith.constant 0 : index
    %get3A_22 = arith.constant 0 : index
    %get3A_23 = vector.load %arg4[%get3A_21, %get3A_22] : memref<128x128xf32, #tpu.memory_space<vmem>>, vector<128x128xf32>
    %dot_general3A = arith.constant dense<0.000000e+00> : vector<400x128xf32>
    %dot_general3A_24 = tpu.matmul %mul3A_20, %get3A_23, %dot_general3A {dimension_numbers = #tpu.dot_dimension_numbers<[1], [0], [0], [1], [0, 0, 1, 1], [], []>, transpose_lhs_hint = false} : vector<400x128xf32>, vector<128x128xf32>, vector<400x128xf32> -> vector<400x128xf32>
    %swap3A_25 = arith.constant 0 : index
    %swap3A_26 = arith.constant 0 : index
    %swap3A_27 = vector.load %arg5[%swap3A_25, %swap3A_26] : memref<400x128xf32, #tpu.memory_space<vmem>>, vector<400x128xf32>
    tpu.vector_store %arg5[%swap3A_25, %swap3A_26], %dot_general3A_24 {strides = array<i32>} : memref<400x128xf32, #tpu.memory_space<vmem>>, vector<400x128xf32>,
    return
  }
  func.func @transform_0(%arg0: i32) -> (i32, i32) {
    %c0_i32 = arith.constant 0 : i32
    %c0_i32_0 = arith.constant 0 : i32
    return %arg0, %c0_i32 : i32, i32
  }
  func.func @transform_1(%arg0: i32) -> (i32, i32, i32, i32) {
    %c0_i32 = arith.constant 0 : i32
    %c0_i32_0 = arith.constant 0 : i32
    %c0_i32_1 = arith.constant 0 : i32
    %c0_i32_2 = arith.constant 0 : i32
    return %c0_i32, %arg0, %c0_i32_0, %c0_i32_1 : i32, i32, i32, i32
  }
  func.func @transform_2(%arg0: i32) -> (i32, i32, i32, i32) {
    %c1_i32 = arith.constant 1 : i32
    %c0_i32 = arith.constant 0 : i32
    %c0_i32_0 = arith.constant 0 : i32
    %c0_i32_1 = arith.constant 0 : i32
    return %c1_i32, %arg0, %c0_i32, %c0_i32_0 : i32, i32, i32, i32
  }
  func.func @transform_3(%arg0: i32) -> (i32, i32) {
    %c0_i32 = arith.constant 0 : i32
    %c0_i32_0 = arith.constant 0 : i32
    %c0_i32_1 = arith.constant 0 : i32
    return %c0_i32, %c0_i32_0 : i32, i32
  }
  func.func @transform_4(%arg0: i32) -> (i32, i32) {
    %c0_i32 = arith.constant 0 : i32
    %c0_i32_0 = arith.constant 0 : i32
    return %arg0, %c0_i32 : i32, i32
  }
  func.func @transform_5(%arg0: i32) -> (i32, i32) {
    %c0_i32 = arith.constant 0 : i32
    %c0_i32_0 = arith.constant 0 : i32
    return %arg0, %c0_i32 : i32, i32
  }
}

module attributes {stable_mosaic.version = 14 : i64} {
  func.func @body(%arg0: i32, %arg1: memref<1x400x128xf32, #tpu.memory_space<vmem>>, %arg2: memref<1x400x128xf32, #tpu.memory_space<vmem>>, %arg3: memref<400x128xf32, #tpu.memory_space<vmem>>, %arg4: memref<400x1xf32, #tpu.memory_space<vmem>>, %arg5: memref<1x128xf32, #tpu.memory_space<vmem>>, %arg6: memref<400x128xf32, #tpu.memory_space<vmem>>) attributes {dimension_semantics = [#tpu.dimension_semantics<arbitrary>], iteration_bounds = array<i64: 25>, scalar_prefetch = 0 : i64, scratch_operands = 0 : i64, tpu.core_type = #tpu.core_type<tc>, window_params = [{transform_indices = @transform_0, window_bounds = array<i64: 1, 400, 128>}, {transform_indices = @transform_1, window_bounds = array<i64: 1, 400, 128>}, {transform_indices = @transform_2, window_bounds = array<i64: 400, 128>}, {transform_indices = @transform_3, window_bounds = array<i64: 400, 1>}, {pipeline_mode = #tpu.pipeline_mode<synchronous>, transform_indices = @transform_4, window_bounds = array<i64: 1, 128>}, {transform_indices = @transform_5, window_bounds = array<i64: 400, 128>}]} {
    %get3A = arith.constant 0 : index
    %get3A_0 = arith.constant 0 : index
    %get3A_1 = arith.constant 0 : index
    %get3A_2 = vector.load %arg1[%get3A, %get3A_0, %get3A_1] : memref<1x400x128xf32, #tpu.memory_space<vmem>>, vector<1x400x128xf32>
    %get3A_3 = vector.shape_cast %get3A_2 : vector<1x400x128xf32> to vector<400x128xf32>
    %get3A_4 = arith.constant 0 : index
    %get3A_5 = arith.constant 0 : index
    %get3A_6 = arith.constant 0 : index
    %get3A_7 = vector.load %arg2[%get3A_4, %get3A_5, %get3A_6] : memref<1x400x128xf32, #tpu.memory_space<vmem>>, vector<1x400x128xf32>
    %get3A_8 = vector.shape_cast %get3A_7 : vector<1x400x128xf32> to vector<400x128xf32>
    %add3A = arith.addf %get3A_3, %get3A_8 : vector<400x128xf32>
    %get3A_9 = arith.constant 0 : index
    %get3A_10 = arith.constant 0 : index
    %get3A_11 = vector.load %arg3[%get3A_9, %get3A_10] : memref<400x128xf32, #tpu.memory_space<vmem>>, vector<400x128xf32>
    %add3A_12 = arith.addf %add3A, %get3A_11 : vector<400x128xf32>
    %get3A_13 = arith.constant 0 : index
    %get3A_14 = arith.constant 0 : index
    %get3A_15 = vector.load %arg4[%get3A_13, %get3A_14] : memref<400x1xf32, #tpu.memory_space<vmem>>, vector<400x1xf32>
    %mul3A = vector.broadcast %get3A_15 : vector<400x1xf32> to vector<400x128xf32>
    %mul3A_16 = arith.mulf %add3A_12, %mul3A : vector<400x128xf32>
    %get3A_17 = arith.constant 0 : index
    %get3A_18 = arith.constant 0 : index
    %get3A_19 = vector.load %arg5[%get3A_17, %get3A_18] : memref<1x128xf32, #tpu.memory_space<vmem>>, vector<1x128xf32>
    %add3A_20 = vector.broadcast %get3A_19 : vector<1x128xf32> to vector<400x128xf32>
    %add3A_21 = arith.addf %mul3A_16, %add3A_20 : vector<400x128xf32>
    %ge3A = arith.constant 0.000000e+00 : f32
    %ge3A_22 = vector.broadcast %ge3A : f32 to vector<400x128xf32>
    %ge3A_23 = arith.cmpf oge, %add3A_21, %ge3A_22 : vector<400x128xf32>
    %mul3A_24 = arith.constant 1.000000e-01 : f32
    %mul3A_25 = vector.broadcast %mul3A_24 : f32 to vector<400x128xf32>
    %mul3A_26 = arith.mulf %mul3A_25, %add3A_21 : vector<400x128xf32>
    %select_n3A = arith.select %ge3A_23, %add3A_21, %mul3A_26 : vector<400x128xi1>, vector<400x128xf32>
    %swap3A = arith.constant 0 : index
    %swap3A_27 = arith.constant 0 : index
    %swap3A_28 = vector.load %arg6[%swap3A, %swap3A_27] : memref<400x128xf32, #tpu.memory_space<vmem>>, vector<400x128xf32>
    tpu.vector_store %arg6[%swap3A, %swap3A_27], %select_n3A {strides = array<i32>} : memref<400x128xf32, #tpu.memory_space<vmem>>, vector<400x128xf32>,
    return
  }
  func.func @transform_0(%arg0: i32) -> (i32, i32, i32) {
    %c0_i32 = arith.constant 0 : i32
    %c0_i32_0 = arith.constant 0 : i32
    %c0_i32_1 = arith.constant 0 : i32
    return %c0_i32, %arg0, %c0_i32_0 : i32, i32, i32
  }
  func.func @transform_1(%arg0: i32) -> (i32, i32, i32) {
    %c1_i32 = arith.constant 1 : i32
    %c0_i32 = arith.constant 0 : i32
    %c0_i32_0 = arith.constant 0 : i32
    return %c1_i32, %arg0, %c0_i32 : i32, i32, i32
  }
  func.func @transform_2(%arg0: i32) -> (i32, i32) {
    %c0_i32 = arith.constant 0 : i32
    %c0_i32_0 = arith.constant 0 : i32
    return %arg0, %c0_i32 : i32, i32
  }
  func.func @transform_3(%arg0: i32) -> (i32, i32) {
    %c0_i32 = arith.constant 0 : i32
    %c0_i32_0 = arith.constant 0 : i32
    return %arg0, %c0_i32 : i32, i32
  }
  func.func @transform_4(%arg0: i32) -> (i32, i32) {
    %c0_i32 = arith.constant 0 : i32
    %c0_i32_0 = arith.constant 0 : i32
    %c0_i32_1 = arith.constant 0 : i32
    return %c0_i32, %c0_i32_0 : i32, i32
  }
  func.func @transform_5(%arg0: i32) -> (i32, i32) {
    %c0_i32 = arith.constant 0 : i32
    %c0_i32_0 = arith.constant 0 : i32
    return %arg0, %c0_i32 : i32, i32
  }
}

</mosaic_0001>

<sc_bundles>
// kernel: kernel.6.cloned.1.call-start
scs
__scs_entry_jumppad:
0x0: {  	(pc) =	sbr.rel $0x88, $3  }
0x1: {  	(tag) =	ssettag $0x0;
	lr =	simm.s32 $0x1  }
0x2: {  	[smem:$0x3F9D] =	sst lr;
	_ =	strace $0xD0000000  }
0x3: {  	_ = 	snop  }
0x4: {  	_ = 	snop  }
0x5: {  	_ = 	snop  }
0x6: {  	_ = 	snop  }
0x7: {  	_ = 	snop  }
__scs_overlays_trampoline_lowered:
0x8: {  	[smem:$0x3FAC] =	sst s0  }
0x9: {  	[smem:$0x3FAD] =	sst s1  }
0xa: {  	[smem:$0x3FAE] =	sst s2  }
0xb: {  	[smem:$0x3FAF] =	sst s3  }
0xc: {  	[smem:$0x3FB0] =	sst s4  }
0xd: {  	[smem:$0x3FB1] =	sst s5  }
0xe: {  	[smem:$0x3FB2] =	sst s6  }
0xf: {  	[smem:$0x3FB3] =	sst s7  }
0x10: {  	[smem:$0x3FB4] =	sst s8  }
0x11: {  	[smem:$0x3FB5] =	sst s9;
	s0 =	simm.s32 @!p0 $0x0  }
0x12: {  	s1 =	sld [smem:$0x3F9B];
	s0 =	simm.s32 @p0 $0x1  }
0x13: {  	[smem:$0x3FB6] =	sst s0;
	s0 =	simm.s32 @!p1 $0x0  }
0x14: {  	s2 =	sld [smem:$0x3F9A];
	s0 =	simm.s32 @p1 $0x1  }
0x15: {  	[smem:$0x3FB7] =	sst s0;
	s0 =	simm.s32 @!p2 $0x0  }
0x16: {  	s3 =	sld [smem:$0x3FDB];
	s0 =	simm.s32 @p2 $0x1  }
0x17: {  	s4 =	simm.s32 $0x1BF5;
	[smem:$0x3FB9] =	sst s0  }
0x18: {  	s0 =	sld [smem:$0x3F9C];
	_ =	swait.ge [sflag:s4], $0x0  }
0x19: {  	s7 =	sld [smem:$0x3F9D]  }
0x1a: {  	s8 =	sadd.s32 $0xFFFFE003, lr  }
0x1b: {  	s9 =	sadd.s32 $0xFFFFFEF7, lr;
	s5 =	simm.s32 $0xFFFFFFFF;
	p2 =	slt.u32 s8, $0xFFFFF086  }
0x1c: {  	p1 =	slt.u32 s9, $0xF7A;
	s5 =	simm.s32 @!p2 $0x0  }
0x1d: {  	s5 =	simm.s32 @p1 $0x1;
	p0 =	seq.s32 s7, s2  }
0x1e: {  	s7 =	smul.u32 @!p0 $0xF7A, s2;
	p2 =	seq.s32 @!p0 s5, $0x0  }
0x1f: {  	s9 =	smul.u32 $0xF7A, s1;
	s8 =	simm.s32 @!p0 $0x1BF5;
	p2 =	por !p2, p0  }
0x20: {  	[sflag:s8] =	ssyncset.s32 @!p0 $0xFFFFF086;
	s6 =	sadd.s32 @!p0 s3, s7;
	s7 =	simm.s32 @!p0 $0x108  }
0x21: {  	s3 =	sadd.s32 s3, s9;
	s6 =	sadd.s32 @!p0 $0x88, s6;
	s7 =	simm.s32 @p2 $0x1082  }
0x22: {  	[simem:s7], [sflag:s8] =	dma.local @!p0 [hbm:s6], $0xF7A  }
0x23: {  	s9 =	sor.u32 $0xD0000000, s2;
	s6 =	simm.s32 $0x108;
	_ =	swait.ge @!p0 [sflag:s8], $0x0  }
0x24: {  	s3 =	sadd.s32 $0x88, s3;
	s6 =	simm.s32 @!p1 $0x1082;
	[sflag:s4] =	ssyncset.s32 $0xFFFFF086  }
0x25: {  	[simem:s6], [sflag:s4] =	dma.local [hbm:s3], $0xF7A  }
0x26: {  	[smem:$0x3F9D] =	sst s1;
	(tag) =	ssettag s2;
	_ =	strace s9  }
0x27: {  	s1 =	sld [smem:$0x3FAD]  }
0x28: {  	s2 =	sld [smem:$0x3FAE]  }
0x29: {  	s4 =	sld [smem:$0x3FB0]  }
0x2a: {  	p0 =	seq.s32 s5, $0x0;
	s5 =	sld [smem:$0x3FB1]  }
0x2b: {  	s6 =	sld [smem:$0x3FB2]  }
0x2c: {  	s7 =	sld [smem:$0x3FB3]  }
0x2d: {  	s3 =	simm.s32 $0x108;
	s8 =	sld [smem:$0x3FB4]  }
0x2e: {  	s3 =	simm.s32 @!p0 $0x1082;
	s9 =	sld [smem:$0x3FB5]  }
0x2f: {  	lr =	sadd.s32 s0, s3;
	s0 =	sld [smem:$0x3FAC]  }
0x30: {  	s3 =	sld [smem:$0x3FAF]  }
0x31: {  	[smem:$0x3FB8] =	sst s10  }
0x32: {  	s10 =	sld [smem:$0x3FB6];
	_ =	sdelay $0x3  }
0x33: {  	p0 =	seq.s32 s10, $0x1;
	s10 =	sld [smem:$0x3FB8];
	_ =	sdelay $0x3  }
0x34: {  	[smem:$0x3FB8] =	sst s10  }
0x35: {  	s10 =	sld [smem:$0x3FB7];
	_ =	sdelay $0x3  }
0x36: {  	p1 =	seq.s32 s10, $0x1;
	s10 =	sld [smem:$0x3FB8];
	_ =	sdelay $0x3  }
0x37: {  	[smem:$0x3FB8] =	sst s10  }
0x38: {  	s10 =	sld [smem:$0x3FB9]  }
0x39: {  	_ = 	snop;
	(pc) =	sbr.ind lr, $3  }
0x3a: {  	_ = 	snop  }
0x3b: {  	_ = 	snop  }
0x3c: {  	p2 =	seq.s32 s10, $0x1;
	s10 =	sld [smem:$0x3FB8]  }
0x3d: {  	_ =	shalt  }
0x3e: {  	_ =	shalt  }
0x3f: {  	_ =	shalt  }
0x40: {  	_ =	shalt  }
0x41: {  	_ =	shalt  }
0x42: {  	_ =	shalt  }
0x43: {  	_ =	shalt  }
0x44: {  	_ =	shalt  }
0x45: {  	_ =	shalt  }
0x46: {  	_ =	shalt  }
0x47: {  	_ =	shalt  }
0x48: {  	_ =	shalt  }
0x49: {  	_ =	shalt  }
0x4a: {  	_ =	shalt  }
0x4b: {  	_ =	shalt  }
0x4c: {  	_ =	shalt  }
0x4d: {  	_ =	shalt  }
0x4e: {  	_ =	shalt  }
0x4f: {  	_ =	shalt  }
0x50: {  	_ =	shalt  }
0x51: {  	_ =	shalt  }
0x52: {  	_ =	shalt  }
0x53: {  	_ =	shalt  }
0x54: {  	_ =	shalt  }
0x55: {  	_ =	shalt  }
0x56: {  	_ =	shalt  }
0x57: {  	_ =	shalt  }
0x58: {  	_ =	shalt  }
0x59: {  	_ =	shalt  }
0x5a: {  	_ =	shalt  }
0x5b: {  	_ =	shalt  }
0x5c: {  	_ =	shalt  }
0x5d: {  	_ =	shalt  }
0x5e: {  	_ =	shalt  }
0x5f: {  	_ =	shalt  }
0x60: {  	_ =	shalt  }
0x61: {  	_ =	shalt  }
0x62: {  	_ =	shalt  }
0x63: {  	_ =	shalt  }
0x64: {  	_ =	shalt  }
0x65: {  	_ =	shalt  }
0x66: {  	_ =	shalt  }
0x67: {  	_ =	shalt  }
0x68: {  	_ =	shalt  }
0x69: {  	_ =	shalt  }
0x6a: {  	_ =	shalt  }
0x6b: {  	_ =	shalt  }
0x6c: {  	_ =	shalt  }
0x6d: {  	_ =	shalt  }
0x6e: {  	_ =	shalt  }
0x6f: {  	_ =	shalt  }
0x70: {  	_ =	shalt  }
0x71: {  	_ =	shalt  }
0x72: {  	_ =	shalt  }
0x73: {  	_ =	shalt  }
0x74: {  	_ =	shalt  }
0x75: {  	_ =	shalt  }
0x76: {  	_ =	shalt  }
0x77: {  	_ =	shalt  }
0x78: {  	_ =	shalt  }
0x79: {  	_ =	shalt  }
0x7a: {  	_ =	shalt  }
0x7b: {  	_ =	shalt  }
0x7c: {  	_ =	shalt  }
0x7d: {  	_ =	shalt  }
0x7e: {  	_ =	shalt  }
0x7f: {  	_ =	shalt  }
0x80: {  	_ =	shalt  }
0x81: {  	_ =	shalt  }
0x82: {  	_ =	shalt  }
0x83: {  	_ =	shalt  }
0x84: {  	_ =	shalt  }
0x85: {  	_ =	shalt  }
0x86: {  	_ =	shalt  }
0x87: {  	_ =	shalt  }
.Lfunc_end0:
.L_simem_size_0:
called_computation_lowered:
.L_overlay_start_0:
0x88: {  	s2 =	sld [smem:$0x3FD9]  }
0x89: {  	s3 =	sld [smem:$0x3FFE];
	_ =	sdelay $0x1  }
0x8a: {  	s1 =	srdreg.scid  }
0x8b: {  	s0 =	sand.u32 $0x1, s1  }
0x8c: {  	s14 =	sshll.u32 s0, $0xA;
	s2 =	sadd.s32 s3, s2  }
0x8d: {  	s2 =	sadd.s32 s2, s14  }
0x8e: {  	[smem:$0x3FC4] =	sst s2  }
0x8f: {  	_ = 	snop  }
0x90: {  	s2 =	sld [smem:$0x3FD0];
	_ =	sdelay $0x2  }
0x91: {  	s15 =	simm.s32 $0xA;
	s4 =	simm.s32 $0x10  }
0x92: {  	[smem:s4], [sflag:s15] =	dma.local [hbm:s2], $0x1  }
0x93: {  	_ =	swait.eq [sflag:s15], $0x1  }
0x94: {  	[sflag:s15] =	ssyncset.done $0x0  }
0x95: {  	[sflag:s15] =	ssyncadd.s32 $0xFFFFFFFF  }
0x96: {  	s16 =	sld [smem:$0x10];
	(tm) =	ssettm $0x1  }
0x97: {  	s17 =	sld [smem:$0x3FFB];
	_ =	sdelay $0x3  }
0x98: {  	_ =	strace s17  }
0x99: {  	s3 =	sld [smem:$0x3FFC];
	_ =	sdelay $0x3  }
0x9a: {  	_ =	strace s3  }
0x9b: {  	s3 =	sld [smem:$0x3FFD];
	_ =	sdelay $0x3  }
0x9c: {  	_ =	strace s3  }
0x9d: {  	_ =	strace $0x8FFFFFFF  }
0x9e: {  	s18 =	sld [smem:$0x3FDB];
	_ =	sdelay $0x1  }
0x9f: {  	s19 =	simm.s32 $_scs_section_size  }
0xa0: {  	s5 =	simm.s32 $_size__tile_overlayer_lowered;
	s6 =	simm.s32 $_tile_overlayer_lowered  }
0xa1: {  	s22 =	simm.s32 $0x1BFF;
	s21 =	sshll.u32 s6, $0x1;
	s3 =	sadd.s32 s19, s18  }
0xa2: {  	s7 =	simm.s32 $0x0;
	s20 =	sshll.u32 s5, $0x1;
	s5 =	sadd.s32 s21, s3  }
0xa3: {  	[timem:s7], [sflag:s22] =	dma.local [hbm:s5], s20  }
0xa4: {  	_ =	swait.ge [sflag:s22], s20  }
0xa5: {  	s4 =	ssub.s32 $0x0, s20;
	[sflag:s22] =	ssyncset.done $0x0  }
0xa6: {  	[sflag:s22] =	ssyncadd.s32 s4;
	_ =	sdelay $0x1  }
0xa7: {  	s23 =	simm.s32 $0x1B8B  }
0xa8: {  	_ =	swait.ge [sflag:s23], $0x1  }
0xa9: {  	[sflag:s23] =	ssyncset.done $0x0  }
0xaa: {  	s25 =	simm.s32 $0x1B8E;
	s24 =	sld [smem:$0x3FFE];
	[sflag:s23] =	ssyncadd.s32 $0xFFFFFFFF  }
0xab: {  	s26 =	simm.s32 $execute0_lowered;
	[smem:$0x3FD2] =	sst s25  }
0xac: {  	s5 =	sshll.u32 s26, $0x1;
	_ =	strace $0x80000046;
	[dreg:$0x1] =	wrdreg $0xFFFFFFFF  }
0xad: {  	s28 =	simm.s32 $_size_execute0_lowered;
	s3 =	sadd.s32 s3, s5;
	[dreg:$0x0] =	wrdreg $0x0  }
0xae: {  	s5 =	sshll.u32 s28, $0x1;
	[dreg:$0x2] =	wrdreg s3  }
0xaf: {  	[dreg:$0x3] =	wrdreg s5  }
0xb0: {  	[dreg:$0x4] =	wrdreg $0xC0  }
0xb1: {  	_ =	task [dreg:s7], $0x5FFFF  }
0xb2: {  	[dreg:$0x1] =	wrdreg $0xFFFFFFFF  }
0xb3: {  	[dreg:$0x0] =	wrdreg $0x60  }
0xb4: {  	[dreg:$0x2] =	wrdreg s24  }
0xb5: {  	[dreg:$0x3] =	wrdreg s16  }
0xb6: {  	[dreg:$0x4] =	wrdreg $0x55000  }
0xb7: {  	[dreg:$0x5] =	wrdreg $0x9  }
0xb8: {  	_ =	task.clear_ibuf [dreg:s7], $0x6FFFF;
	_ =	strace $0x90000046  }
0xb9: {  	s29 =	simm.s32 $0x9;
	_ =	strace $0x80000048  }
0xba: {  	_ =	swait.ge [sflag:s29], $0x1  }
0xbb: {  	[sflag:s29] =	ssyncadd.s32 $0xFFFFFFFF  }
0xbc: {  	_ =	strace $0x90000048  }
0xbd: {  	_ =	sfence  }
0xbe: {  	s30 =	sld [smem:$0x0];
	_ =	sdelay $0x2  }
0xbf: {  	s31 =	sshll.u32 s1, $0xD;
	s1 =	sshrl.u32 s1, $0x2  }
0xc0: {  	s3 =	sand.u32 $0x4000, s31;
	s1 =	sadd.s32 s1, s30  }
0xc1: {  	s0 =	sor.u32 s3, s0;
	s1 =	sshll.u32 s1, $0x11  }
0xc2: {  	s0 =	sor.u32 s1, s0  }
0xc3: {  	s0 =	sadd.s32 $0x8F2B, s0  }
0xc4: {  	[sflag:s0] =	ssyncadd.remote.s32 $0x1  }
0xc5: {  	_ =	sfence.sel $0xFFFF  }
0xc6: {  	[dreg:$0x0] =	wrdreg $0xFFFFFFFF;
	(pc) =	sbr.abs _section_cstart, $3  }
0xc7: {  	[dreg:$0x1] =	wrdreg $0xFFFFFFFF  }
0xc8: {  	_ =	task.clear_ibuf [dreg:s7], $0x2FFFF;
	_ =	strace $0x9FFFFFFF  }
0xc9: {  	(tm) =	ssettm $0x7FFFFFFF  }
tec
execute0_lowered:
.L_overlay_start_1:
0x0: {  	(tag) =	ssettag $0x1  }
0x1: {  	s4 =	rddreg [dreg:$0x0]  }
0x2: {  	s0 =	srdreg.scid;
	s6 =	rddreg [dreg:$0x1]  }
0x3: {  	s2 =	rddreg [dreg:$0x2];
	s1 =	stileid.u32;
	s3 =	simm.s32 $0x0  }
0x4: {  	s10 =	simm.s32 $0x400;
	s12 =	simm.s32 $0x5000;
	s15 =	simm.s32 $0x5280  }
0x5: {  	s16 =	simm.s32 $0x0;
	s5 =	sand.u32 $0x1, s0;
	s0 =	rddreg [dreg:$0x3]  }
0x6: {  	s9 =	sshrl.u32 s1, $0x3;
	[smem:$0x7FF] =	sst s3;
	s11 =	smul.u32 $0x5000, s1  }
0x7: {  	s31 =	sshll.u32 s1, $0x7;
	s14 =	smul.u32 $0xA0, s1;
	s7 =	sshll.u32 s5, $0x4  }
0x8: {  	s5 =	ssub.s32 $0x2, s5;
	s9 =	smul.u32 $0x50000, s9;
	_ =	strace $0x80000047  }
0x9: {  	s8 =	sor.u32 s1, s7;
	s30 =	sshrl.u32 s5, $0x1;
	s13 =	sadd.s32 s6, s7  }
0xa: {  	s7 =	simm.s32 $0x1;
	s8 =	smul.u32 $0x500, s8;
	s9 =	sshrl.u32 s9, $0x2  }
0xb: {  	s11 =	sshrl.u32 s11, $0x2;
	s13 =	sadd.s32 s14, s13;
	s9 =	sadd.s32 s9, s2  }
0xc: {  	s4 =	sadd.s32 s8, s4;
	s8 =	ssub.s32 s5, s30;
	s5 =	sand.u32 $0x380, s31  }
0xd: {  	s14 =	simm.s32 $0x100;
	s4 =	sadd.s32 $0x1800, s4;
	s5 =	sadd.s32 s5, s9  }
0xe: {  	v0 =	vimm.f32 $0.0e+00;
	v1 =	vimm.f32 $1.000000000e+00;
	s6 =	smax.u32 s8, $0x1;
	s8 =	simm.s32 $0x2800;
	s9 =	simm.s32 $0x80  }
.LBB2_1:
0xf: {  	[tilespmem:s3], [sflag:$0x1] =	stream.linear.gather [hbm4b:s4+s3], $0x2800, $0x38;
	[tilespmem:$0x7D00] =	vst v63  }
0x10: {  	_ =	swait.ge [sflag:s7], $0x2800  }
0x11: {  	[sflag:s7] =	ssyncset.done $0x0  }
0x12: {  	s17 =	simm.s32 $0x0;
	[sflag:s7] =	ssyncadd.s32 $0xFFFFD800  }
.LBB2_2:
0x13: {  	p0 =	sne.s32 s17, $0x9FC0  }
.Ltmp0:
0x14: {  	_ = 	snop;
	(pc) =	sbr.rel @p0 .LBB2_2-.Ltmp0, $3  }
0x15: {  	_ =	sdelay $0x1  }
0x16: {  	s18 =	sshra.s32 s17, $0x2  }
0x17: {  	s17 =	sadd.s32 $0x40, s17;
	[tilespmem:s18+$0x2800] =	vst v0  }
0x18: {  	s17 =	simm.s32 $0x1C0  }
.LBB2_4:
0x19: {  	s18 =	sshra.s32 s17, $0x2  }
0x1a: {  	v2 =	vld [tilespmem:s18+$0xFFFFFF90];
	_ =	sdelay $0x7  }
0x1b: {  	[tilespmem:v2+s8+$0x0] =	vst.idx.add.f32.msk $0xffff, v1  }
0x1c: {  	v2 =	vld [tilespmem:s18+$0xFFFFFFA0];
	_ =	sdelay $0x7  }
0x1d: {  	[tilespmem:v2+s8+$0x0] =	vst.idx.add.f32.msk $0xffff, v1  }
0x1e: {  	v2 =	vld [tilespmem:s18+$0xFFFFFFB0];
	_ =	sdelay $0x7  }
0x1f: {  	[tilespmem:v2+s8+$0x0] =	vst.idx.add.f32.msk $0xffff, v1  }
0x20: {  	v2 =	vld [tilespmem:s18+$0xFFFFFFC0];
	_ =	sdelay $0x7  }
0x21: {  	[tilespmem:v2+s8+$0x0] =	vst.idx.add.f32.msk $0xffff, v1  }
0x22: {  	v2 =	vld [tilespmem:s18+$0xFFFFFFD0];
	_ =	sdelay $0x7  }
0x23: {  	[tilespmem:v2+s8+$0x0] =	vst.idx.add.f32.msk $0xffff, v1  }
0x24: {  	v2 =	vld [tilespmem:s18+$0xFFFFFFE0];
	_ =	sdelay $0x7  }
0x25: {  	[tilespmem:v2+s8+$0x0] =	vst.idx.add.f32.msk $0xffff, v1  }
0x26: {  	v2 =	vld [tilespmem:s18+$0xFFFFFFF0];
	_ =	sdelay $0x7  }
0x27: {  	[tilespmem:v2+s8+$0x0] =	vst.idx.add.f32.msk $0xffff, v1  }
0x28: {  	v2 =	vld [tilespmem:s18+$0x0];
	_ =	sdelay $0x2  }
0x29: {  	p0 =	sne.s32 s17, $0x9FC0  }
.Ltmp1:
0x2a: {  	_ = 	snop;
	(pc) =	sbr.rel @p0 .LBB2_4-.Ltmp1, $2  }
0x2b: {  	_ =	sdelay $0x2  }
0x2c: {  	s17 =	sadd.s32 $0x200, s17;
	[tilespmem:v2+s8+$0x0] =	vst.idx.add.f32.msk $0xffff, v1  }
0x2d: {  	[spmem:s5] =	stream.strided.scatter [tilespmem:s8], [sflag:$0x1], $0x2800, s10, s9, $0x38;
	[tilespmem:$0x7D00] =	vst v63  }
0x2e: {  	_ =	swait.ge [sflag:s7], $0x2800  }
0x2f: {  	[sflag:s7] =	ssyncset.done $0x0  }
0x30: {  	[sflag:s7] =	ssyncadd.s32 $0xFFFFD800  }
0x31: {  	[bflag:$0x0] =	sbarrier.arrive $0xFFFF  }
0x32: {  	[tilespmem:$0x5280] =	vst v0  }
0x33: {  	[tilespmem:$0x5290] =	vst v0  }
0x34: {  	[tilespmem:$0x52A0] =	vst v0  }
0x35: {  	[tilespmem:$0x52B0] =	vst v0  }
0x36: {  	[tilespmem:$0x52C0] =	vst v0  }
0x37: {  	[tilespmem:$0x52D0] =	vst v0  }
0x38: {  	[tilespmem:$0x52E0] =	vst v0  }
0x39: {  	[tilespmem:$0x52F0] =	vst v0  }
0x3a: {  	[tilespmem:$0x5300] =	vst v0  }
0x3b: {  	[tilespmem:$0x5310] =	vst v0  }
0x3c: {  	[tilespmem:$0x5320] =	vst v0  }
0x3d: {  	[tilespmem:$0x5330] =	vst v0  }
0x3e: {  	[tilespmem:$0x5340] =	vst v0  }
0x3f: {  	[tilespmem:$0x5350] =	vst v0  }
0x40: {  	[tilespmem:$0x5360] =	vst v0  }
0x41: {  	[tilespmem:$0x5370] =	vst v0  }
0x42: {  	[tilespmem:$0x5380] =	vst v0  }
0x43: {  	[tilespmem:$0x5390] =	vst v0  }
0x44: {  	[tilespmem:$0x53A0] =	vst v0  }
0x45: {  	[tilespmem:$0x53B0] =	vst v0  }
0x46: {  	[tilespmem:$0x53C0] =	vst v0  }
0x47: {  	[tilespmem:$0x53D0] =	vst v0  }
0x48: {  	[tilespmem:$0x53E0] =	vst v0  }
0x49: {  	[tilespmem:$0x53F0] =	vst v0  }
0x4a: {  	[tilespmem:$0x5400] =	vst v0  }
0x4b: {  	[tilespmem:$0x5410] =	vst v0  }
0x4c: {  	[tilespmem:$0x5420] =	vst v0  }
0x4d: {  	[tilespmem:$0x5430] =	vst v0  }
0x4e: {  	[tilespmem:$0x5440] =	vst v0  }
0x4f: {  	[tilespmem:$0x5450] =	vst v0  }
0x50: {  	[tilespmem:$0x5460] =	vst v0  }
0x51: {  	[tilespmem:$0x5470] =	vst v0  }
0x52: {  	[tilespmem:$0x5480] =	vst v0  }
0x53: {  	[tilespmem:$0x5490] =	vst v0  }
0x54: {  	[tilespmem:$0x54A0] =	vst v0  }
0x55: {  	[tilespmem:$0x54B0] =	vst v0  }
0x56: {  	[tilespmem:$0x54C0] =	vst v0  }
0x57: {  	[tilespmem:$0x54D0] =	vst v0  }
0x58: {  	[tilespmem:$0x54E0] =	vst v0  }
0x59: {  	s17 =	simm.s32 $0x0;
	[tilespmem:$0x54F0] =	vst v0  }
.LBB2_6:
0x5a: {  	s18 =	sshrl.u32 s17, $0x3  }
0x5b: {  	s18 =	smul.u32 $0x50000, s18;
	_ =	sdelay $0x1  }
0x5c: {  	s19 =	sshll.u32 s17, $0x7;
	s18 =	sshra.s32 s18, $0x2  }
0x5d: {  	s19 =	sand.u32 $0x380, s19;
	s18 =	sadd.s32 s18, s2  }
0x5e: {  	s18 =	sadd.s32 s19, s18  }
0x5f: {  	s18 =	sadd.s32 s11, s18  }
0x60: {  	[tilespmem:s12], [sflag:$0x1] =	stream.strided.gather [spmem:s18], $0x280, s10, s9, $0x38;
	[tilespmem:$0x7D00] =	vst v63  }
0x61: {  	_ =	swait.ge [sflag:s7], $0x280  }
0x62: {  	[sflag:s7] =	ssyncset.done $0x0  }
0x63: {  	s18 =	simm.s32 $0x0;
	[sflag:s7] =	ssyncadd.s32 $0xFFFFFD80  }
0x64: {  	s19 =	simm.s32 $0x40;
	v2 =	vld [tilespmem:s18+$0x5000]  }
.LBB2_7:
0x65: {  	p0 =	sne.s32 s19, $0x9C0;
	v3 =	vld [tilespmem:s18+$0x5280];
	_ =	sdelay $0x2  }
.Ltmp2:
0x66: {  	(pc) =	sbr.rel @p0 .LBB2_7-.Ltmp2, $4  }
0x67: {  	_ = 	snop  }
0x68: {  	v3 =	vadd.f32 v2, v3  }
0x69: {  	s20 =	sshra.s32 s19, $0x2  }
0x6a: {  	s19 =	sadd.s32 $0x40, s19;
	v2 =	vld [tilespmem:s20+$0x5000];
	[tilespmem:s18+$0x5280] =	vst v3;
	s18 =	smov.u32 s20  }
0x6b: {  	v3 =	vld [tilespmem:s18+$0x5280]  }
0x6c: {  	s17 =	sadd.s32 $0x1, s17  }
0x6d: {  	p0 =	sne.s32 s17, $0x10  }
.Ltmp3:
0x6e: {  	_ = 	snop;
	(pc) =	sbr.rel @p0 .LBB2_6-.Ltmp3, $3  }
0x6f: {  	_ = 	snop  }
0x70: {  	v2 =	vadd.f32 v2, v3;
	_ =	sdelay $0x1  }
0x71: {  	[tilespmem:s18+$0x5280] =	vst v2  }
0x72: {  	s16 =	sadd.s32 $0x1, s16  }
0x73: {  	p0 =	sne.s32 s16, s6  }
.Ltmp4:
0x74: {  	_ = 	snop;
	(pc) =	sbr.rel @p0 .LBB2_1-.Ltmp4, $4  }
0x75: {  	[hbm4b:s13+s9] =	stream.strided.scatter [tilespmem:s15], [sflag:$0x1], $0x280, s14, s9, $0x38;
	[tilespmem:$0x7D00] =	vst v63  }
0x76: {  	_ =	swait.ge [sflag:s7], $0x280  }
0x77: {  	[sflag:s7] =	ssyncset.done $0x0  }
0x78: {  	[sflag:s7] =	ssyncadd.s32 $0xFFFFFD80  }
0x79: {  	_ =	sfence.sel $0x180000  }
0x7a: {  	[bflag:$0x0] =	sbarrier.arrive $0xFFFF  }
0x7b: {  	p0 =	sne.s32 s1, $0x0;
	_ =	strace $0x90000047  }
0x7c: {  	s0 =	sadd.s32 @!p0 $0x100000, s0;
	[bflag:$0x2] =	sbarrier.arrive $0xFFFF  }
0x7d: {  	[sflag:s0] =	ssyncadd.tile.s32 @!p0 $0x1;
	_ =	shalt  }
.Lfunc_end2:
_tile_overlayer_lowered:
.L_overlay_start_2:
0x7e: {  	(tag) =	ssettag $0x2  }
0x7f: {  	s0 =	rddreg [dreg:$0x0];
	s2 =	stileid.u32  }
0x80: {  	s1 =	rddreg [dreg:$0x1];
	p0 =	sne.s32 s2, $0x0  }
0x81: {  	s3 =	rddreg [dreg:$0x2];
	[bflag:$0x3] =	sbarrier.arrive $0xFFFF;
	s2 =	simm.s32 @!p0 $0x1C01  }
0x82: {  	[timem:s3], [sflag:s2] =	dma.local @!p0 [hbm:s0], s1  }
0x83: {  	s0 =	simm.s32 @!p0 $0x1  }
0x84: {  	_ =	swait.ge @!p0 [sflag:s0], s1  }
0x85: {  	s1 =	ssub.s32 @!p0 $0x0, s1;
	[sflag:s0] =	ssyncset.done @!p0 $0x0  }
0x86: {  	[sflag:s0] =	ssyncadd.s32 @!p0 s1  }
0x87: {  	[bflag:$0x3] =	sbarrier.arrive $0xFFFF  }
0x88: {  	_ =	shalt  }

// kernel: kernel.9.cloned.1.call-start
scs
__scs_entry_jumppad:
0x0: {  	(pc) =	sbr.rel $0x88, $3  }
0x1: {  	(tag) =	ssettag $0x0;
	lr =	simm.s32 $0x1  }
0x2: {  	[smem:$0x3F9D] =	sst lr;
	_ =	strace $0xD0000000  }
0x3: {  	_ = 	snop  }
0x4: {  	_ = 	snop  }
0x5: {  	_ = 	snop  }
0x6: {  	_ = 	snop  }
0x7: {  	_ = 	snop  }
__scs_overlays_trampoline_lowered:
0x8: {  	[smem:$0x3FAC] =	sst s0  }
0x9: {  	[smem:$0x3FAD] =	sst s1  }
0xa: {  	[smem:$0x3FAE] =	sst s2  }
0xb: {  	[smem:$0x3FAF] =	sst s3  }
0xc: {  	[smem:$0x3FB0] =	sst s4  }
0xd: {  	[smem:$0x3FB1] =	sst s5  }
0xe: {  	[smem:$0x3FB2] =	sst s6  }
0xf: {  	[smem:$0x3FB3] =	sst s7  }
0x10: {  	[smem:$0x3FB4] =	sst s8  }
0x11: {  	[smem:$0x3FB5] =	sst s9;
	s0 =	simm.s32 @!p0 $0x0  }
0x12: {  	s1 =	sld [smem:$0x3F9B];
	s0 =	simm.s32 @p0 $0x1  }
0x13: {  	[smem:$0x3FB6] =	sst s0;
	s0 =	simm.s32 @!p1 $0x0  }
0x14: {  	s2 =	sld [smem:$0x3F9A];
	s0 =	simm.s32 @p1 $0x1  }
0x15: {  	[smem:$0x3FB7] =	sst s0;
	s0 =	simm.s32 @!p2 $0x0  }
0x16: {  	s3 =	sld [smem:$0x3FDB];
	s0 =	simm.s32 @p2 $0x1  }
0x17: {  	s4 =	simm.s32 $0x1BF5;
	[smem:$0x3FB9] =	sst s0  }
0x18: {  	s0 =	sld [smem:$0x3F9C];
	_ =	swait.ge [sflag:s4], $0x0  }
0x19: {  	s7 =	sld [smem:$0x3F9D]  }
0x1a: {  	s8 =	sadd.s32 $0xFFFFE003, lr  }
0x1b: {  	s9 =	sadd.s32 $0xFFFFFEF7, lr;
	s5 =	simm.s32 $0xFFFFFFFF;
	p2 =	slt.u32 s8, $0xFFFFF086  }
0x1c: {  	p1 =	slt.u32 s9, $0xF7A;
	s5 =	simm.s32 @!p2 $0x0  }
0x1d: {  	s5 =	simm.s32 @p1 $0x1;
	p0 =	seq.s32 s7, s2  }
0x1e: {  	s7 =	smul.u32 @!p0 $0xF7A, s2;
	p2 =	seq.s32 @!p0 s5, $0x0  }
0x1f: {  	s9 =	smul.u32 $0xF7A, s1;
	s8 =	simm.s32 @!p0 $0x1BF5;
	p2 =	por !p2, p0  }
0x20: {  	[sflag:s8] =	ssyncset.s32 @!p0 $0xFFFFF086;
	s6 =	sadd.s32 @!p0 s3, s7;
	s7 =	simm.s32 @!p0 $0x108  }
0x21: {  	s3 =	sadd.s32 s3, s9;
	s6 =	sadd.s32 @!p0 $0x88, s6;
	s7 =	simm.s32 @p2 $0x1082  }
0x22: {  	[simem:s7], [sflag:s8] =	dma.local @!p0 [hbm:s6], $0xF7A  }
0x23: {  	s9 =	sor.u32 $0xD0000000, s2;
	s6 =	simm.s32 $0x108;
	_ =	swait.ge @!p0 [sflag:s8], $0x0  }
0x24: {  	s3 =	sadd.s32 $0x88, s3;
	s6 =	simm.s32 @!p1 $0x1082;
	[sflag:s4] =	ssyncset.s32 $0xFFFFF086  }
0x25: {  	[simem:s6], [sflag:s4] =	dma.local [hbm:s3], $0xF7A  }
0x26: {  	[smem:$0x3F9D] =	sst s1;
	(tag) =	ssettag s2;
	_ =	strace s9  }
0x27: {  	s1 =	sld [smem:$0x3FAD]  }
0x28: {  	s2 =	sld [smem:$0x3FAE]  }
0x29: {  	s4 =	sld [smem:$0x3FB0]  }
0x2a: {  	p0 =	seq.s32 s5, $0x0;
	s5 =	sld [smem:$0x3FB1]  }
0x2b: {  	s6 =	sld [smem:$0x3FB2]  }
0x2c: {  	s7 =	sld [smem:$0x3FB3]  }
0x2d: {  	s3 =	simm.s32 $0x108;
	s8 =	sld [smem:$0x3FB4]  }
0x2e: {  	s3 =	simm.s32 @!p0 $0x1082;
	s9 =	sld [smem:$0x3FB5]  }
0x2f: {  	lr =	sadd.s32 s0, s3;
	s0 =	sld [smem:$0x3FAC]  }
0x30: {  	s3 =	sld [smem:$0x3FAF]  }
0x31: {  	[smem:$0x3FB8] =	sst s10  }
0x32: {  	s10 =	sld [smem:$0x3FB6];
	_ =	sdelay $0x3  }
0x33: {  	p0 =	seq.s32 s10, $0x1;
	s10 =	sld [smem:$0x3FB8];
	_ =	sdelay $0x3  }
0x34: {  	[smem:$0x3FB8] =	sst s10  }
0x35: {  	s10 =	sld [smem:$0x3FB7];
	_ =	sdelay $0x3  }
0x36: {  	p1 =	seq.s32 s10, $0x1;
	s10 =	sld [smem:$0x3FB8];
	_ =	sdelay $0x3  }
0x37: {  	[smem:$0x3FB8] =	sst s10  }
0x38: {  	s10 =	sld [smem:$0x3FB9]  }
0x39: {  	_ = 	snop;
	(pc) =	sbr.ind lr, $3  }
0x3a: {  	_ = 	snop  }
0x3b: {  	_ = 	snop  }
0x3c: {  	p2 =	seq.s32 s10, $0x1;
	s10 =	sld [smem:$0x3FB8]  }
0x3d: {  	_ =	shalt  }
0x3e: {  	_ =	shalt  }
0x3f: {  	_ =	shalt  }
0x40: {  	_ =	shalt  }
0x41: {  	_ =	shalt  }
0x42: {  	_ =	shalt  }
0x43: {  	_ =	shalt  }
0x44: {  	_ =	shalt  }
0x45: {  	_ =	shalt  }
0x46: {  	_ =	shalt  }
0x47: {  	_ =	shalt  }
0x48: {  	_ =	shalt  }
0x49: {  	_ =	shalt  }
0x4a: {  	_ =	shalt  }
0x4b: {  	_ =	shalt  }
0x4c: {  	_ =	shalt  }
0x4d: {  	_ =	shalt  }
0x4e: {  	_ =	shalt  }
0x4f: {  	_ =	shalt  }
0x50: {  	_ =	shalt  }
0x51: {  	_ =	shalt  }
0x52: {  	_ =	shalt  }
0x53: {  	_ =	shalt  }
0x54: {  	_ =	shalt  }
0x55: {  	_ =	shalt  }
0x56: {  	_ =	shalt  }
0x57: {  	_ =	shalt  }
0x58: {  	_ =	shalt  }
0x59: {  	_ =	shalt  }
0x5a: {  	_ =	shalt  }
0x5b: {  	_ =	shalt  }
0x5c: {  	_ =	shalt  }
0x5d: {  	_ =	shalt  }
0x5e: {  	_ =	shalt  }
0x5f: {  	_ =	shalt  }
0x60: {  	_ =	shalt  }
0x61: {  	_ =	shalt  }
0x62: {  	_ =	shalt  }
0x63: {  	_ =	shalt  }
0x64: {  	_ =	shalt  }
0x65: {  	_ =	shalt  }
0x66: {  	_ =	shalt  }
0x67: {  	_ =	shalt  }
0x68: {  	_ =	shalt  }
0x69: {  	_ =	shalt  }
0x6a: {  	_ =	shalt  }
0x6b: {  	_ =	shalt  }
0x6c: {  	_ =	shalt  }
0x6d: {  	_ =	shalt  }
0x6e: {  	_ =	shalt  }
0x6f: {  	_ =	shalt  }
0x70: {  	_ =	shalt  }
0x71: {  	_ =	shalt  }
0x72: {  	_ =	shalt  }
0x73: {  	_ =	shalt  }
0x74: {  	_ =	shalt  }
0x75: {  	_ =	shalt  }
0x76: {  	_ =	shalt  }
0x77: {  	_ =	shalt  }
0x78: {  	_ =	shalt  }
0x79: {  	_ =	shalt  }
0x7a: {  	_ =	shalt  }
0x7b: {  	_ =	shalt  }
0x7c: {  	_ =	shalt  }
0x7d: {  	_ =	shalt  }
0x7e: {  	_ =	shalt  }
0x7f: {  	_ =	shalt  }
0x80: {  	_ =	shalt  }
0x81: {  	_ =	shalt  }
0x82: {  	_ =	shalt  }
0x83: {  	_ =	shalt  }
0x84: {  	_ =	shalt  }
0x85: {  	_ =	shalt  }
0x86: {  	_ =	shalt  }
0x87: {  	_ =	shalt  }
.Lfunc_end0:
.L_simem_size_0:
called_computation.1_lowered:
.L_overlay_start_0:
0x88: {  	s2 =	sld [smem:$0x3FD9]  }
0x89: {  	s3 =	sld [smem:$0x3FFE];
	_ =	sdelay $0x1  }
0x8a: {  	s1 =	srdreg.scid  }
0x8b: {  	s0 =	sand.u32 $0x1, s1  }
0x8c: {  	s14 =	sshll.u32 s0, $0xA;
	s2 =	sadd.s32 s3, s2  }
0x8d: {  	s2 =	sadd.s32 s2, s14  }
0x8e: {  	[smem:$0x3FC4] =	sst s2  }
0x8f: {  	_ = 	snop  }
0x90: {  	s2 =	sld [smem:$0x3FD0];
	_ =	sdelay $0x2  }
0x91: {  	s15 =	simm.s32 $0xA;
	s4 =	simm.s32 $0x10  }
0x92: {  	[smem:s4], [sflag:s15] =	dma.local [hbm:s2], $0x1  }
0x93: {  	_ =	swait.eq [sflag:s15], $0x1  }
0x94: {  	[sflag:s15] =	ssyncset.done $0x0  }
0x95: {  	s16 =	sld [smem:$0x10];
	[sflag:s15] =	ssyncadd.s32 $0xFFFFFFFF  }
0x96: {  	s17 =	sld [smem:$0x11];
	(tm) =	ssettm $0x1  }
0x97: {  	s18 =	sld [smem:$0x3FFB];
	_ =	sdelay $0x3  }
0x98: {  	_ =	strace s18  }
0x99: {  	s4 =	sld [smem:$0x3FFC];
	_ =	sdelay $0x3  }
0x9a: {  	_ =	strace s4  }
0x9b: {  	s4 =	sld [smem:$0x3FFD];
	_ =	sdelay $0x3  }
0x9c: {  	_ =	strace s4  }
0x9d: {  	_ =	strace $0x8FFFFFFF  }
0x9e: {  	s19 =	sld [smem:$0x3FDB];
	_ =	sdelay $0x1  }
0x9f: {  	s5 =	simm.s32 $_scs_section_size  }
0xa0: {  	s6 =	simm.s32 $_size__tile_overlayer_lowered;
	s7 =	simm.s32 $_tile_overlayer_lowered  }
0xa1: {  	s22 =	simm.s32 $0x1BFF;
	s21 =	sshll.u32 s7, $0x1;
	s4 =	sadd.s32 s5, s19  }
0xa2: {  	s8 =	simm.s32 $0x0;
	s20 =	sshll.u32 s6, $0x1;
	s6 =	sadd.s32 s21, s4  }
0xa3: {  	[timem:s8], [sflag:s22] =	dma.local [hbm:s6], s20  }
0xa4: {  	_ =	swait.ge [sflag:s22], s20  }
0xa5: {  	s5 =	ssub.s32 $0x0, s20;
	[sflag:s22] =	ssyncset.done $0x0  }
0xa6: {  	[sflag:s22] =	ssyncadd.s32 s5;
	_ =	sdelay $0x1  }
0xa7: {  	s23 =	simm.s32 $0x1B8B  }
0xa8: {  	_ =	swait.ge [sflag:s23], $0x1  }
0xa9: {  	[sflag:s23] =	ssyncset.done $0x0  }
0xaa: {  	s25 =	simm.s32 $0x1B8E;
	s24 =	sld [smem:$0x3FFE];
	[sflag:s23] =	ssyncadd.s32 $0xFFFFFFFF  }
0xab: {  	s26 =	simm.s32 $execute0_lowered;
	[smem:$0x3FD2] =	sst s25  }
0xac: {  	s6 =	sshll.u32 s26, $0x1;
	_ =	strace $0x80000049;
	[dreg:$0x1] =	wrdreg $0xFFFFFFFF  }
0xad: {  	s28 =	simm.s32 $_size_execute0_lowered;
	s4 =	sadd.s32 s4, s6;
	[dreg:$0x0] =	wrdreg $0x0  }
0xae: {  	s6 =	sshll.u32 s28, $0x1;
	[dreg:$0x2] =	wrdreg s4  }
0xaf: {  	[dreg:$0x3] =	wrdreg s6  }
0xb0: {  	[dreg:$0x4] =	wrdreg $0xC0  }
0xb1: {  	_ =	task [dreg:s8], $0x5FFFF  }
0xb2: {  	[dreg:$0x1] =	wrdreg $0xFFFFFFFF  }
0xb3: {  	[dreg:$0x0] =	wrdreg $0x60  }
0xb4: {  	[dreg:$0x2] =	wrdreg s17  }
0xb5: {  	[dreg:$0x3] =	wrdreg s24  }
0xb6: {  	[dreg:$0x4] =	wrdreg s16  }
0xb7: {  	[dreg:$0x5] =	wrdreg $0xA8000  }
0xb8: {  	[dreg:$0x6] =	wrdreg $0x9  }
0xb9: {  	_ =	task.clear_ibuf [dreg:s8], $0x7FFFF;
	_ =	strace $0x90000049  }
0xba: {  	s29 =	simm.s32 $0x9;
	_ =	strace $0x8000004B  }
0xbb: {  	_ =	swait.ge [sflag:s29], $0x1  }
0xbc: {  	[sflag:s29] =	ssyncadd.s32 $0xFFFFFFFF  }
0xbd: {  	_ =	strace $0x9000004B  }
0xbe: {  	_ =	sfence  }
0xbf: {  	s30 =	sld [smem:$0x0];
	_ =	sdelay $0x2  }
0xc0: {  	s31 =	sshll.u32 s1, $0xD;
	s1 =	sshrl.u32 s1, $0x2  }
0xc1: {  	s3 =	sand.u32 $0x4000, s31;
	s1 =	sadd.s32 s1, s30  }
0xc2: {  	s0 =	sor.u32 s3, s0;
	s1 =	sshll.u32 s1, $0x11  }
0xc3: {  	s0 =	sor.u32 s1, s0  }
0xc4: {  	s0 =	sadd.s32 $0x8F2B, s0  }
0xc5: {  	[sflag:s0] =	ssyncadd.remote.s32 $0x1  }
0xc6: {  	_ =	sfence.sel $0xFFFF  }
0xc7: {  	[dreg:$0x0] =	wrdreg $0xFFFFFFFF;
	(pc) =	sbr.abs _section_cstart, $3  }
0xc8: {  	[dreg:$0x1] =	wrdreg $0xFFFFFFFF  }
0xc9: {  	_ =	task.clear_ibuf [dreg:s8], $0x2FFFF;
	_ =	strace $0x9FFFFFFF  }
0xca: {  	(tm) =	ssettm $0x7FFFFFFF  }
0xcb: {  	_ =	shalt  }
tec
execute0_lowered:
.L_overlay_start_1:
0x0: {  	(tag) =	ssettag $0x1  }
0x1: {  	s7 =	rddreg [dreg:$0x0]  }
0x2: {  	s6 =	rddreg [dreg:$0x1]  }
0x3: {  	s2 =	rddreg [dreg:$0x2]  }
0x4: {  	s0 =	srdreg.scid;
	s3 =	rddreg [dreg:$0x3]  }
0x5: {  	s4 =	simm.s32 $0x0;
	s14 =	simm.s32 $0x2800;
	s15 =	simm.s32 $0x6800  }
0x6: {  	s16 =	simm.s32 $0x1;
	s5 =	sand.u32 $0x1, s0;
	s0 =	stileid.u32  }
0x7: {  	s17 =	simm.s32 $0x2;
	s18 =	simm.s32 $0x1380;
	s23 =	smul.u32 $0x2800, s0  }
0x8: {  	s19 =	simm.s32 $0x2700;
	s20 =	simm.s32 $0x2780;
	s9 =	smul.u32 $0x28000, s5  }
0x9: {  	[smem:$0x7FF] =	sst s4;
	s1 =	sshll.u32 s5, $0x4;
	s10 =	smul.u32 $0x50000, s0  }
0xa: {  	s5 =	ssub.s32 $0x2, s5;
	s31 =	sshll.u32 s0, $0x6;
	s1 =	sor.u32 s0, s1  }
0xb: {  	s30 =	sshrl.u32 s5, $0x1;
	s8 =	smul.u32 $0x500, s1;
	s1 =	rddreg [dreg:$0x4]  }
0xc: {  	_ =	strace $0x8000004A;
	s12 =	sadd.s32 s23, s6;
	s10 =	sshrl.u32 s10, $0x2  }
0xd: {  	s9 =	sadd.s32 s9, s6;
	s13 =	ssub.s32 s5, s30;
	s10 =	sadd.s32 s10, s3  }
0xe: {  	s5 =	sadd.s32 $0xB800, s12;
	s24 =	sadd.s32 $0x33800, s9;
	s9 =	smax.u32 s13, $0x1  }
0xf: {  	s12 =	simm.s32 $0x1400;
	s13 =	simm.s32 $0x80;
	s11 =	sadd.s32 s8, s6  }
0x10: {  	s6 =	sor.u32 $0x1C03, s31;
	s7 =	sadd.s32 s7, s8;
	s10 =	sshrl.u32 s10, $0x3  }
0x11: {  	s23 =	sadd.s32 s23, s24;
	s24 =	simm.s32 $0x0;
	s8 =	sadd.s32 $0x1800, s11  }
0x12: {  	s11 =	simm.s32 $0x3;
	s21 =	sadd.s32 $0x280, s7;
	s22 =	sadd.s32 $0x280, s8  }
.LBB2_1:
0x13: {  	[spmem:s10], [sflag:s6] =	dma.local [hbm:s5], $0x2800  }
0x14: {  	_ =	swait.ge [sflag:s11], $0x2800  }
0x15: {  	[sflag:s11] =	ssyncset.done $0x0  }
0x16: {  	[sflag:s11] =	ssyncadd.s32 $0xFFFFD800  }
0x17: {  	[bflag:$0x0] =	sbarrier.arrive $0xFFFF  }
0x18: {  	[tilespmem:s4], [sflag:$0x3] =	stream.linear.gather [hbm4b:s7+s4], $0x1400, $0x38;
	[tilespmem:$0x1E800] =	vst v63  }
0x19: {  	_ =	swait.ge [sflag:s11], $0x1400  }
0x1a: {  	[sflag:s11] =	ssyncset.done $0x0  }
0x1b: {  	[sflag:s11] =	ssyncadd.s32 $0xFFFFEC00  }
0x1c: {  	[tilespmem:s12], [sflag:$0x3] =	stream.linear.gather [hbm4b:s8+s4], $0x1400, $0x38;
	[tilespmem:$0x1E800] =	vst v63  }
0x1d: {  	_ =	swait.ge [sflag:s11], $0x1400  }
0x1e: {  	[sflag:s11] =	ssyncset.done $0x0  }
0x1f: {  	[sflag:s11] =	ssyncadd.s32 $0xFFFFEC00  }
0x20: {  	[tilespmem:s14], [sflag:$0x1] =	stream.indirect.gather [hbm4b:s2+s13], $0x80, s4, s13, $0xb8;
	[tilespmem:$0x1E800] =	vst v63  }
0x21: {  	s25 =	simm.s32 $0x80  }
0x22: {  	[tilespmem:s15], [sflag:$0x2] =	stream.indirect.gather [hbm4b:s2+s13], $0x80, s25, s13, $0xb8;
	[tilespmem:$0x1E800] =	vst v63  }
0x23: {  	_ =	swait.ge [sflag:s16], $0x4000  }
0x24: {  	[sflag:s16] =	ssyncset.done $0x0  }
0x25: {  	s29 =	simm.s32 $0x1400;
	[sflag:s16] =	ssyncadd.s32 $0xFFFFC000  }
0x26: {  	[spmem:s3] =	stream.indirect.scatter.add.f32 [tilespmem:s14], [sflag:$0x3], $0x80, s29, s13, $0xb8;
	[tilespmem:$0x1E800] =	vst v63  }
0x27: {  	_ =	swait.ge [sflag:s11], $0x4000  }
0x28: {  	[sflag:s11] =	ssyncset.done $0x0  }
0x29: {  	s30 =	simm.s32 $0x100;
	[sflag:s11] =	ssyncadd.s32 $0xFFFFC000  }
0x2a: {  	[tilespmem:s14], [sflag:$0x1] =	stream.indirect.gather [hbm4b:s2+s13], $0x80, s30, s13, $0xb8;
	[tilespmem:$0x1E800] =	vst v63  }
0x2b: {  	_ =	swait.ge [sflag:s17], $0x4000  }
0x2c: {  	[sflag:s17] =	ssyncset.done $0x0  }
0x2d: {  	s31 =	simm.s32 $0x1480;
	[sflag:s17] =	ssyncadd.s32 $0xFFFFC000  }
0x2e: {  	[spmem:s3] =	stream.indirect.scatter.add.f32 [tilespmem:s15], [sflag:$0x3], $0x80, s31, s13, $0xb8;
	[tilespmem:$0x1E800] =	vst v63  }
0x2f: {  	_ =	swait.ge [sflag:s11], $0x4000  }
0x30: {  	s26 =	simm.s32 $0x800;
	s25 =	simm.s32 $0x100;
	[sflag:s11] =	ssyncset.done $0x0  }
.LBB2_2:
0x31: {  	s28 =	sadd.s32 $0x80, s25  }
0x32: {  	[sflag:s11] =	ssyncadd.s32 $0xFFFFC000;
	s29 =	smov.u32 s26;
	s30 =	sadd.s32 $0x400, s26  }
0x33: {  	[tilespmem:s15], [sflag:$0x2] =	stream.indirect.gather [hbm4b:s2+s13], $0x80, s28, s13, $0xb8;
	[tilespmem:$0x1E800] =	vst v63  }
0x34: {  	p0 =	sne.s32 s26, $0x4800;
	_ =	swait.ge [sflag:s16], $0x4000  }
0x35: {  	[sflag:s16] =	ssyncset.done $0x0  }
0x36: {  	s26 =	sadd.s32 $0x1400, s25;
	[sflag:s16] =	ssyncadd.s32 $0xFFFFC000  }
0x37: {  	[spmem:s3] =	stream.indirect.scatter.add.f32 [tilespmem:s14], [sflag:$0x3], $0x80, s26, s13, $0xb8;
	[tilespmem:$0x1E800] =	vst v63  }
0x38: {  	_ =	swait.ge [sflag:s11], $0x4000  }
0x39: {  	[sflag:s11] =	ssyncset.done $0x0  }
0x3a: {  	s26 =	sadd.s32 $0x100, s25;
	[sflag:s11] =	ssyncadd.s32 $0xFFFFC000  }
0x3b: {  	[tilespmem:s14], [sflag:$0x1] =	stream.indirect.gather [hbm4b:s2+s13], $0x80, s26, s13, $0xb8;
	[tilespmem:$0x1E800] =	vst v63  }
0x3c: {  	_ =	swait.ge [sflag:s17], $0x4000  }
.Ltmp0:
0x3d: {  	[sflag:s17] =	ssyncset.done $0x0;
	(pc) =	sbr.rel @p0 .LBB2_2-.Ltmp0, $4  }
0x3e: {  	s25 =	sadd.s32 $0x1480, s25;
	[sflag:s17] =	ssyncadd.s32 $0xFFFFC000  }
0x3f: {  	[spmem:s3] =	stream.indirect.scatter.add.f32 [tilespmem:s15], [sflag:$0x3], $0x80, s25, s13, $0xb8;
	[tilespmem:$0x1E800] =	vst v63  }
0x40: {  	_ =	swait.ge [sflag:s11], $0x4000  }
0x41: {  	s26 =	smov.u32 s30;
	s25 =	sshra.s32 s29, $0x2;
	[sflag:s11] =	ssyncset.done $0x0  }
0x42: {  	s26 =	sadd.s32 $0x80, s25;
	[sflag:s11] =	ssyncadd.s32 $0xFFFFC000  }
0x43: {  	[tilespmem:s15], [sflag:$0x2] =	stream.indirect.gather [hbm4b:s2+s13], $0x80, s26, s13, $0xb8;
	[tilespmem:$0x1E800] =	vst v63  }
0x44: {  	_ =	swait.ge [sflag:s16], $0x4000  }
0x45: {  	[sflag:s16] =	ssyncset.done $0x0  }
0x46: {  	s29 =	sadd.s32 $0x1400, s25;
	[sflag:s16] =	ssyncadd.s32 $0xFFFFC000  }
0x47: {  	[spmem:s3] =	stream.indirect.scatter.add.f32 [tilespmem:s14], [sflag:$0x3], $0x80, s29, s13, $0xb8;
	[tilespmem:$0x1E800] =	vst v63  }
0x48: {  	_ =	swait.ge [sflag:s11], $0x4000  }
0x49: {  	[sflag:s11] =	ssyncset.done $0x0  }
0x4a: {  	s30 =	sadd.s32 $0x100, s25;
	[sflag:s11] =	ssyncadd.s32 $0xFFFFC000  }
0x4b: {  	[tilespmem:s14], [sflag:$0x1] =	stream.indirect.gather [hbm4b:s2+s13], $0x80, s30, s13, $0xb8;
	[tilespmem:$0x1E800] =	vst v63  }
0x4c: {  	_ =	swait.ge [sflag:s17], $0x4000  }
0x4d: {  	[sflag:s17] =	ssyncset.done $0x0  }
0x4e: {  	s31 =	sadd.s32 $0x1480, s25;
	[sflag:s17] =	ssyncadd.s32 $0xFFFFC000  }
0x4f: {  	[spmem:s3] =	stream.indirect.scatter.add.f32 [tilespmem:s15], [sflag:$0x3], $0x80, s31, s13, $0xb8;
	[tilespmem:$0x1E800] =	vst v63  }
0x50: {  	_ =	swait.ge [sflag:s11], $0x4000  }
0x51: {  	[sflag:s11] =	ssyncset.done $0x0  }
0x52: {  	[sflag:s11] =	ssyncadd.s32 $0xFFFFC000  }
0x53: {  	[tilespmem:s15], [sflag:$0x2] =	stream.indirect.gather [hbm4b:s2+s13], $0x80, s18, s13, $0xb8;
	[tilespmem:$0x1E800] =	vst v63  }
0x54: {  	_ =	swait.ge [sflag:s16], $0x4000  }
0x55: {  	[sflag:s16] =	ssyncset.done $0x0  }
0x56: {  	[sflag:s16] =	ssyncadd.s32 $0xFFFFC000  }
0x57: {  	[spmem:s3] =	stream.indirect.scatter.add.f32 [tilespmem:s14], [sflag:$0x3], $0x80, s19, s13, $0xb8;
	[tilespmem:$0x1E800] =	vst v63  }
0x58: {  	_ =	swait.ge [sflag:s11], $0x4000  }
0x59: {  	[sflag:s11] =	ssyncset.done $0x0  }
0x5a: {  	[sflag:s11] =	ssyncadd.s32 $0xFFFFC000  }
0x5b: {  	_ =	swait.ge [sflag:s17], $0x4000  }
0x5c: {  	[sflag:s17] =	ssyncset.done $0x0  }
0x5d: {  	[sflag:s17] =	ssyncadd.s32 $0xFFFFC000  }
0x5e: {  	[spmem:s3] =	stream.indirect.scatter.add.f32 [tilespmem:s15], [sflag:$0x3], $0x80, s20, s13, $0xb8;
	[tilespmem:$0x1E800] =	vst v63  }
0x5f: {  	_ =	swait.ge [sflag:s11], $0x4000  }
0x60: {  	[sflag:s11] =	ssyncset.done $0x0  }
0x61: {  	s26 =	simm.s32 $0x0;
	[sflag:s11] =	ssyncadd.s32 $0xFFFFC000  }
0x62: {  	[tilespmem:s26], [sflag:$0x3] =	stream.linear.gather [hbm4b:s21+s26], $0x1400, $0x38;
	[tilespmem:$0x1E800] =	vst v63  }
0x63: {  	_ =	swait.ge [sflag:s11], $0x1400  }
0x64: {  	[sflag:s11] =	ssyncset.done $0x0  }
0x65: {  	[sflag:s11] =	ssyncadd.s32 $0xFFFFEC00  }
0x66: {  	[tilespmem:s12], [sflag:$0x3] =	stream.linear.gather [hbm4b:s22+s26], $0x1400, $0x38;
	[tilespmem:$0x1E800] =	vst v63  }
0x67: {  	_ =	swait.ge [sflag:s11], $0x1400  }
0x68: {  	[sflag:s11] =	ssyncset.done $0x0  }
0x69: {  	[sflag:s11] =	ssyncadd.s32 $0xFFFFEC00  }
0x6a: {  	[tilespmem:s14], [sflag:$0x1] =	stream.indirect.gather [hbm4b:s2+s13], $0x80, s26, s13, $0xb8;
	[tilespmem:$0x1E800] =	vst v63  }
0x6b: {  	s28 =	simm.s32 $0x80  }
0x6c: {  	[tilespmem:s15], [sflag:$0x2] =	stream.indirect.gather [hbm4b:s2+s13], $0x80, s28, s13, $0xb8;
	[tilespmem:$0x1E800] =	vst v63  }
0x6d: {  	_ =	swait.ge [sflag:s16], $0x4000  }
0x6e: {  	[sflag:s16] =	ssyncset.done $0x0  }
0x6f: {  	s29 =	simm.s32 $0x1400;
	[sflag:s16] =	ssyncadd.s32 $0xFFFFC000  }
0x70: {  	[spmem:s3] =	stream.indirect.scatter.add.f32 [tilespmem:s14], [sflag:$0x3], $0x80, s29, s13, $0xb8;
	[tilespmem:$0x1E800] =	vst v63  }
0x71: {  	_ =	swait.ge [sflag:s11], $0x4000  }
0x72: {  	[sflag:s11] =	ssyncset.done $0x0  }
0x73: {  	s30 =	simm.s32 $0x100;
	[sflag:s11] =	ssyncadd.s32 $0xFFFFC000  }
0x74: {  	[tilespmem:s14], [sflag:$0x1] =	stream.indirect.gather [hbm4b:s2+s13], $0x80, s30, s13, $0xb8;
	[tilespmem:$0x1E800] =	vst v63  }
0x75: {  	_ =	swait.ge [sflag:s17], $0x4000  }
0x76: {  	[sflag:s17] =	ssyncset.done $0x0  }
0x77: {  	s31 =	simm.s32 $0x1480;
	[sflag:s17] =	ssyncadd.s32 $0xFFFFC000  }
0x78: {  	[spmem:s3] =	stream.indirect.scatter.add.f32 [tilespmem:s15], [sflag:$0x3], $0x80, s31, s13, $0xb8;
	[tilespmem:$0x1E800] =	vst v63  }
0x79: {  	_ =	swait.ge [sflag:s11], $0x4000  }
0x7a: {  	s25 =	simm.s32 $0x100;
	s26 =	simm.s32 $0x800;
	[sflag:s11] =	ssyncset.done $0x0  }
.LBB2_4:
0x7b: {  	s28 =	sadd.s32 $0x80, s25  }
0x7c: {  	[sflag:s11] =	ssyncadd.s32 $0xFFFFC000;
	s29 =	smov.u32 s26;
	s30 =	sadd.s32 $0x400, s26  }
0x7d: {  	[tilespmem:s15], [sflag:$0x2] =	stream.indirect.gather [hbm4b:s2+s13], $0x80, s28, s13, $0xb8;
	[tilespmem:$0x1E800] =	vst v63  }
0x7e: {  	p0 =	sne.s32 s26, $0x4800;
	_ =	swait.ge [sflag:s16], $0x4000  }
0x7f: {  	[sflag:s16] =	ssyncset.done $0x0  }
0x80: {  	s26 =	sadd.s32 $0x1400, s25;
	[sflag:s16] =	ssyncadd.s32 $0xFFFFC000  }
0x81: {  	[spmem:s3] =	stream.indirect.scatter.add.f32 [tilespmem:s14], [sflag:$0x3], $0x80, s26, s13, $0xb8;
	[tilespmem:$0x1E800] =	vst v63  }
0x82: {  	_ =	swait.ge [sflag:s11], $0x4000  }
0x83: {  	[sflag:s11] =	ssyncset.done $0x0  }
0x84: {  	s26 =	sadd.s32 $0x100, s25;
	[sflag:s11] =	ssyncadd.s32 $0xFFFFC000  }
0x85: {  	[tilespmem:s14], [sflag:$0x1] =	stream.indirect.gather [hbm4b:s2+s13], $0x80, s26, s13, $0xb8;
	[tilespmem:$0x1E800] =	vst v63  }
0x86: {  	_ =	swait.ge [sflag:s17], $0x4000  }
.Ltmp1:
0x87: {  	[sflag:s17] =	ssyncset.done $0x0;
	(pc) =	sbr.rel @p0 .LBB2_4-.Ltmp1, $4  }
0x88: {  	s25 =	sadd.s32 $0x1480, s25;
	[sflag:s17] =	ssyncadd.s32 $0xFFFFC000  }
0x89: {  	[spmem:s3] =	stream.indirect.scatter.add.f32 [tilespmem:s15], [sflag:$0x3], $0x80, s25, s13, $0xb8;
	[tilespmem:$0x1E800] =	vst v63  }
0x8a: {  	_ =	swait.ge [sflag:s11], $0x4000  }
0x8b: {  	s26 =	smov.u32 s30;
	s25 =	sshra.s32 s29, $0x2;
	[sflag:s11] =	ssyncset.done $0x0  }
0x8c: {  	s26 =	sadd.s32 $0x80, s25;
	[sflag:s11] =	ssyncadd.s32 $0xFFFFC000  }
0x8d: {  	[tilespmem:s15], [sflag:$0x2] =	stream.indirect.gather [hbm4b:s2+s13], $0x80, s26, s13, $0xb8;
	[tilespmem:$0x1E800] =	vst v63  }
0x8e: {  	_ =	swait.ge [sflag:s16], $0x4000  }
0x8f: {  	[sflag:s16] =	ssyncset.done $0x0  }
0x90: {  	s29 =	sadd.s32 $0x1400, s25;
	[sflag:s16] =	ssyncadd.s32 $0xFFFFC000  }
0x91: {  	[spmem:s3] =	stream.indirect.scatter.add.f32 [tilespmem:s14], [sflag:$0x3], $0x80, s29, s13, $0xb8;
	[tilespmem:$0x1E800] =	vst v63  }
0x92: {  	_ =	swait.ge [sflag:s11], $0x4000  }
0x93: {  	[sflag:s11] =	ssyncset.done $0x0  }
0x94: {  	s30 =	sadd.s32 $0x100, s25;
	[sflag:s11] =	ssyncadd.s32 $0xFFFFC000  }
0x95: {  	[tilespmem:s14], [sflag:$0x1] =	stream.indirect.gather [hbm4b:s2+s13], $0x80, s30, s13, $0xb8;
	[tilespmem:$0x1E800] =	vst v63  }
0x96: {  	_ =	swait.ge [sflag:s17], $0x4000  }
0x97: {  	[sflag:s17] =	ssyncset.done $0x0  }
0x98: {  	s31 =	sadd.s32 $0x1480, s25;
	[sflag:s17] =	ssyncadd.s32 $0xFFFFC000  }
0x99: {  	[spmem:s3] =	stream.indirect.scatter.add.f32 [tilespmem:s15], [sflag:$0x3], $0x80, s31, s13, $0xb8;
	[tilespmem:$0x1E800] =	vst v63  }
0x9a: {  	_ =	swait.ge [sflag:s11], $0x4000  }
0x9b: {  	[sflag:s11] =	ssyncset.done $0x0  }
0x9c: {  	[sflag:s11] =	ssyncadd.s32 $0xFFFFC000  }
0x9d: {  	[tilespmem:s15], [sflag:$0x2] =	stream.indirect.gather [hbm4b:s2+s13], $0x80, s18, s13, $0xb8;
	[tilespmem:$0x1E800] =	vst v63  }
0x9e: {  	_ =	swait.ge [sflag:s16], $0x4000  }
0x9f: {  	[sflag:s16] =	ssyncset.done $0x0  }
0xa0: {  	[sflag:s16] =	ssyncadd.s32 $0xFFFFC000  }
0xa1: {  	[spmem:s3] =	stream.indirect.scatter.add.f32 [tilespmem:s14], [sflag:$0x3], $0x80, s19, s13, $0xb8;
	[tilespmem:$0x1E800] =	vst v63  }
0xa2: {  	_ =	swait.ge [sflag:s11], $0x4000  }
0xa3: {  	[sflag:s11] =	ssyncset.done $0x0  }
0xa4: {  	[sflag:s11] =	ssyncadd.s32 $0xFFFFC000  }
0xa5: {  	_ =	swait.ge [sflag:s17], $0x4000  }
0xa6: {  	[sflag:s17] =	ssyncset.done $0x0  }
0xa7: {  	[sflag:s17] =	ssyncadd.s32 $0xFFFFC000  }
0xa8: {  	[spmem:s3] =	stream.indirect.scatter.add.f32 [tilespmem:s15], [sflag:$0x3], $0x80, s20, s13, $0xb8;
	[tilespmem:$0x1E800] =	vst v63  }
0xa9: {  	_ =	swait.ge [sflag:s11], $0x4000  }
0xaa: {  	s24 =	sadd.s32 $0x1, s24;
	[sflag:s11] =	ssyncset.done $0x0  }
0xab: {  	p0 =	sne.s32 s24, s9;
	[sflag:s11] =	ssyncadd.s32 $0xFFFFC000  }
.Ltmp2:
0xac: {  	[bflag:$0x0] =	sbarrier.arrive $0xFFFF;
	(pc) =	sbr.rel @p0 .LBB2_1-.Ltmp2, $4  }
0xad: {  	[hbm:s23], [sflag:s6] =	dma.local [spmem:s10], $0x2800  }
0xae: {  	_ =	swait.ge [sflag:s11], $0x2800  }
0xaf: {  	[sflag:s11] =	ssyncset.done $0x0  }
0xb0: {  	[sflag:s11] =	ssyncadd.s32 $0xFFFFD800  }
0xb1: {  	_ =	sfence.sel $0x180000  }
0xb2: {  	[bflag:$0x0] =	sbarrier.arrive $0xFFFF  }
0xb3: {  	p0 =	sne.s32 s0, $0x0;
	_ =	strace $0x9000004A  }
0xb4: {  	s0 =	sadd.s32 @!p0 $0x100000, s1;
	[bflag:$0x2] =	sbarrier.arrive $0xFFFF  }
0xb5: {  	[sflag:s0] =	ssyncadd.tile.s32 @!p0 $0x1;
	_ =	shalt  }
.Lfunc_end2:
_tile_overlayer_lowered:
.L_overlay_start_2:
0xb6: {  	(tag) =	ssettag $0x2  }
0xb7: {  	s0 =	rddreg [dreg:$0x0];
	s2 =	stileid.u32  }
0xb8: {  	s1 =	rddreg [dreg:$0x1];
	p0 =	sne.s32 s2, $0x0  }
0xb9: {  	s3 =	rddreg [dreg:$0x2];
	[bflag:$0x3] =	sbarrier.arrive $0xFFFF;
	s2 =	simm.s32 @!p0 $0x1C03  }
0xba: {  	[timem:s3], [sflag:s2] =	dma.local @!p0 [hbm:s0], s1  }
0xbb: {  	s0 =	simm.s32 @!p0 $0x3  }
0xbc: {  	_ =	swait.ge @!p0 [sflag:s0], s1  }
0xbd: {  	s1 =	ssub.s32 @!p0 $0x0, s1;
	[sflag:s0] =	ssyncset.done @!p0 $0x0  }
0xbe: {  	[sflag:s0] =	ssyncadd.s32 @!p0 s1  }
0xbf: {  	[bflag:$0x3] =	sbarrier.arrive $0xFFFF  }
0xc0: {  	_ =	shalt  }

</sc_bundles>
